<compile_context>
chip_gen: v7x
topology: tpu7x:2x2x1
jax: 0.10.2.dev20260603
libtpu: 0.0.44.dev20260713+nightly
codegen_flags: <defaults>
</compile_context>

<pallas_src>
import functools

import jax
import jax.numpy as jnp
from jax import lax
from jax.experimental import pallas as pl
from jax.experimental.pallas import tpu as pltpu
from jax.experimental.pallas import tpu_sc as plsc

_N = 10000
_E = 320000
_DHID = 128

_NC = 2
_NS = 16
_NW = _NC * _NS
_EPW = _E // _NW
_CH = 80
_NCHUNKS = _EPW // _CH
_NPAD = 10240
_RPT = _NPAD // _NS
_CHD = 10000
_NCHUNKS_D = _EPW // _CHD


def _make_prop(d, ch, nbuf, npass=1, tc_tiling=True):
    nch = _EPW // ch
    assert nch * ch == _EPW and ch % 16 == 0 and nch >= 2 * nbuf - 1
    h = ((nch - nbuf) % nbuf) + 1
    nblk = (nch - nbuf + 1 - h) // nbuf
    mesh = plsc.VectorSubcoreMesh(core_axis_name="c", subcore_axis_name="s")

    @functools.partial(
        pl.kernel, mesh=mesh,
        out_type=[jax.ShapeDtypeStruct((_NC * _NPAD, d), jnp.float32)
                  for _ in range(npass)],
        scratch_types=[
            pltpu.VMEM((_EPW,), jnp.int32),
            pltpu.VMEM((_EPW,), jnp.int32),
        ] + [pltpu.VMEM((ch,), jnp.int32) for _ in range(nbuf)]
          + [pltpu.VMEM((ch, d), jnp.float32) for _ in range(nbuf)]
          + [pltpu.VMEM_SHARED((_NPAD, d), jnp.float32)]
          + [pltpu.SemaphoreType.DMA for _ in range(2 * nbuf)],
        compiler_params=pltpu.CompilerParams(use_tc_tiling_on_sc=tc_tiling),
    )
    def k(*args):
        srcs = args[:npass]
        rows, cols, zrows = args[npass:npass + 3]
        outs = args[npass + 3:2 * npass + 3]
        rall, call = args[2 * npass + 3:2 * npass + 5]
        rest = args[2 * npass + 5:]
        cx = rest[:nbuf]
        rb = rest[nbuf:2 * nbuf]
        acc = rest[2 * nbuf]
        gsem = rest[2 * nbuf + 1:3 * nbuf + 1]
        ssem = rest[3 * nbuf + 1:]

        c = lax.axis_index("c")
        s = lax.axis_index("s")
        wid = s * _NC + c
        base = wid * _EPW

        pltpu.async_copy(rows.at[pl.ds(base, _EPW)], rall, gsem[0])
        pltpu.async_copy(cols.at[pl.ds(base, _EPW)], call, gsem[1])
        pltpu.sync_copy(zrows, acc.at[pl.ds(s * _RPT, _RPT)])
        pltpu.make_async_copy(rows.at[pl.ds(base, _EPW)], rall,
                              gsem[0]).wait()
        pltpu.make_async_copy(cols.at[pl.ds(base, _EPW)], call,
                              gsem[1]).wait()

        def fill_cidx(i, b):
            def mv(j, carry):
                cx[b][pl.ds(j * 16, 16)] = call[pl.ds(i * ch + j * 16, 16)]
                return carry
            lax.fori_loop(0, ch // 16, mv, 0)

        def start_scatter(b):
            pltpu.async_copy(rb[b], acc.at[cx[b]], ssem[b], add=True)

        def wait_scatter(b):
            pltpu.make_async_copy(rb[b], acc.at[cx[b]], ssem[b]).wait()

        def run_pass(src, out):
            def start_gather(i, b):
                pltpu.async_copy(src.at[rall.at[pl.ds(i * ch, ch)]], rb[b],
                                 gsem[b])

            def wait_gather(i, b):
                pltpu.make_async_copy(src.at[rall.at[pl.ds(i * ch, ch)]],
                                      rb[b], gsem[b]).wait()

            def sub(i, b, bn, first):
                if not first:
                    wait_scatter(bn)
                start_gather(i + nbuf - 1, bn)
                fill_cidx(i + nbuf - 1, bn)
                wait_gather(i, b)
                start_scatter(b)

            plsc.subcore_barrier()

            for j in range(nbuf - 1):
                start_gather(j, j)
                fill_cidx(j, j)

            for i in range(h):
                sub(i, i % nbuf, (i - 1) % nbuf, first=(i == 0))

            def blk(g, carry):
                for t in range(nbuf):
                    i = h + nbuf * g + t
                    sub(i, (h + t) % nbuf, (h + t - 1) % nbuf, first=False)
                return carry

            lax.fori_loop(0, nblk, blk, 0)

            for i in range(nch - nbuf + 1, nch):
                wait_gather(i, i % nbuf)
                start_scatter(i % nbuf)

            for b in range(nbuf):
                wait_scatter(b)

            plsc.subcore_barrier()
            pltpu.sync_copy(acc.at[pl.ds(s * _RPT, _RPT)],
                            out.at[pl.ds(c * _NPAD + s * _RPT, _RPT)])

        for p in range(npass):
            if p > 0:
                pltpu.sync_copy(zrows, acc.at[pl.ds(s * _RPT, _RPT)])
            run_pass(srcs[p], outs[p])

    return k


def _make_deg():
    mesh = plsc.VectorSubcoreMesh(core_axis_name="c", subcore_axis_name="s")

    @functools.partial(
        pl.kernel, mesh=mesh,
        out_type=jax.ShapeDtypeStruct((_NW, _NPAD), jnp.float32),
        scratch_types=[
            pltpu.VMEM((_CHD,), jnp.int32),
            pltpu.VMEM((_NPAD,), jnp.float32),
        ],
        compiler_params=pltpu.CompilerParams(needs_layout_passes=False),
    )
    def k(cols, out, cidx, hist):
        c = lax.axis_index("c")
        s = lax.axis_index("s")
        wid = s * _NC + c

        z16 = jnp.zeros((16,), jnp.float32)

        def zero(i, carry):
            hist[pl.ds(i * 16, 16)] = z16
            return carry

        lax.fori_loop(0, _NPAD // 16, zero, 0)

        def chunk(i, carry):
            base = wid * _EPW + i * _CHD
            pltpu.sync_copy(cols.at[pl.ds(base, _CHD)], cidx)

            def vec(j, carry2):
                idx16 = cidx[pl.ds(j * 16, 16)]
                cnt, last = plsc.scan_count(idx16)
                plsc.addupdate_scatter(
                    hist, [idx16], cnt.astype(jnp.float32), mask=last)
                return carry2

            return lax.fori_loop(0, _CHD // 16, vec, carry)

        lax.fori_loop(0, _NCHUNKS_D, chunk, 0)
        pltpu.sync_copy(hist, out.at[wid])

    return k


_prop128 = _make_prop(_DHID, _CH, 2)
_prop8 = _make_prop(8, 2000, 3, tc_tiling=False)
_deg_pass = _make_deg()


def _dinv_from(deg_part_ref):
    ones32 = jnp.ones((_NW, 1), jnp.float32)
    deg = lax.dot_general(deg_part_ref[...], ones32,
                          (((0,), (0,)), ((), ())),
                          preferred_element_type=jnp.float32)
    return lax.rsqrt(deg[: _N, :] + 1.0)


def _tc1_body(dp, f, w, g1):
    dinv = _dinv_from(dp)
    g1[...] = jnp.dot(f[...], w[...], preferred_element_type=jnp.float32) * dinv


def _tc2_body(dp, scat1, g1, b1, w2p, g2):
    dinv = _dinv_from(dp)
    agg = scat1[: _N, :] + scat1[_NPAD : _NPAD + _N, :] + g1[...]
    x1 = jnp.maximum(agg * dinv + b1[...], 0.0)
    g2[...] = jnp.dot(x1, w2p[...], preferred_element_type=jnp.float32) * dinv


def _tc3_body(dp, scat2, g2, b2p, out):
    dinv = _dinv_from(dp)
    z = (scat2[: _N, :] + scat2[_NPAD : _NPAD + _N, :] + g2[...]) * dinv
    out[...] = z[:, :3] + b2p[...]


def kernel(features, edges, edges2, edge_features, W1, b1, W2, b2):
    del edges2, edge_features
    rows = edges[0]
    cols = edges[1]

    zeros128 = jnp.zeros((_RPT, _DHID), jnp.float32)
    zeros8 = jnp.zeros((_RPT, 8), jnp.float32)
    b1_2d = b1.reshape(1, _DHID)
    b2_2d = b2.reshape(1, 3)
    w2p = jnp.zeros((_DHID, 8), jnp.float32).at[:, :3].set(W2)

    deg_part = _deg_pass(cols)

    g1 = pl.pallas_call(
        _tc1_body,
        out_shape=jax.ShapeDtypeStruct((_N, _DHID), jnp.float32),
    )(deg_part, features, W1)

    (scat1,) = _prop128(g1, rows, cols, zeros128)

    g2 = pl.pallas_call(
        _tc2_body,
        out_shape=jax.ShapeDtypeStruct((_N, 8), jnp.float32),
    )(deg_part, scat1, g1, b1_2d, w2p)

    (scat2,) = _prop8(g2, rows, cols, zeros8)

    out = pl.pallas_call(
        _tc3_body,
        out_shape=jax.ShapeDtypeStruct((_N, 3), jnp.float32),
    )(deg_part, scat2, g2, b2_2d)

    return out

# --- scband reference (transcript-rebuilt; emitter-appended) ---
"""Pipeline reference for scband-gcnconv-model-71588514889832 (READ-ONLY COPY).

The authoritative reference and input builder live on the scoring server;
editing this copy changes nothing except your own understanding.
"""

import jax, jax.numpy as jnp
import numpy as np

N = 10000
E = 320000
D_IN = 128
D_HID = 128
D_OUT = 3
D_EDGE = 4


def setup_inputs(seed: int = 0) -> dict:
    key = jax.random.key(seed)
    k1, k2, k3, k4, k5, k6 = jax.random.split(key, 6)
    features = jax.random.normal(k1, (N, D_IN), dtype=jnp.float32)
    edges = jax.random.randint(k2, (2, E), 0, N, dtype=jnp.int32)
    edges2 = jax.random.randint(k3, (2, E), 0, N, dtype=jnp.int32)
    edge_features = jax.random.normal(k4, (E, D_EDGE), dtype=jnp.float32)
    W1 = jax.random.normal(k5, (D_IN, D_HID), dtype=jnp.float32) * (1.0 / np.sqrt(D_IN))
    b1 = jnp.zeros((D_HID,), dtype=jnp.float32)
    W2 = jax.random.normal(k6, (D_HID, D_OUT), dtype=jnp.float32) * (1.0 / np.sqrt(D_HID))
    b2 = jnp.zeros((D_OUT,), dtype=jnp.float32)
    return {"features": features, "edges": edges, "edges2": edges2,
            "edge_features": edge_features, "W1": W1, "b1": b1, "W2": W2, "b2": b2}


def _gcn_layer(x, edge_index, W, b):
    # PyG GCNConv with add_self_loops=True, normalize=True, edge_weight=None
    row = edge_index[0]
    col = edge_index[1]
    loop = jnp.arange(N, dtype=edge_index.dtype)
    row = jnp.concatenate([row, loop])
    col = jnp.concatenate([col, loop])
    deg = jnp.zeros((N,), dtype=x.dtype).at[col].add(1.0)
    deg_inv_sqrt = jnp.where(deg > 0, jax.lax.rsqrt(jnp.maximum(deg, 1e-12)), 0.0)
    norm = deg_inv_sqrt[row] * deg_inv_sqrt[col]
    h = x @ W
    msg = h[row] * norm[:, None]
    out = jnp.zeros((N, W.shape[1]), dtype=x.dtype).at[col].add(msg)
    return out + b


def reference(features, edges, edges2, edge_features, W1, b1, W2, b2):
    # edge_features is discarded by the original model (set to None in forward)
    # dropout is inactive in eval mode
    x = _gcn_layer(features, edges, W1, b1)
    x = jax.nn.relu(x)
    return _gcn_layer(x, edges, W2, b2)

if __name__ == "__main__":
    import jax
    _d = setup_inputs()
    print(jax.jit(kernel)(*tuple(_d.values())))

</pallas_src>

<mosaic_0001>
#map = affine_map<(d0, d1) -> (0, 0)>
#map1 = affine_map<(d0, d1) -> (0)>
module attributes {stable_mosaic.version = 14 : i64} {
  func.func @k(%arg0: i32, %arg1: i32, %arg2: memref<10000x128xf32, #tpu.memory_space<hbm>>, %arg3: memref<320000xi32, #tpu.memory_space<hbm>>, %arg4: memref<320000xi32, #tpu.memory_space<hbm>>, %arg5: memref<640x128xf32, #tpu.memory_space<hbm>>, %arg6: memref<20480x128xf32, #tpu.memory_space<hbm>>, %arg7: memref<10000xi32, #tpu.memory_space<vmem>>, %arg8: memref<10000xi32, #tpu.memory_space<vmem>>, %arg9: memref<80xi32, #tpu.memory_space<vmem>>, %arg10: memref<80xi32, #tpu.memory_space<vmem>>, %arg11: memref<80x128xf32, #tpu.memory_space<vmem>>, %arg12: memref<80x128xf32, #tpu.memory_space<vmem>>, %arg13: memref<10240x128xf32, #tpu.memory_space<vmem_shared>>, %arg14: memref<!tpu.dma_semaphore, #tpu.memory_space<semaphore_mem>>, %arg15: memref<!tpu.dma_semaphore, #tpu.memory_space<semaphore_mem>>, %arg16: memref<!tpu.dma_semaphore, #tpu.memory_space<semaphore_mem>>, %arg17: memref<!tpu.dma_semaphore, #tpu.memory_space<semaphore_mem>>) attributes {dimension_semantics = [#tpu.dimension_semantics<core_parallel>, #tpu.dimension_semantics<subcore_parallel>], iteration_bounds = array<i64: 2, 16>, scalar_prefetch = 0 : i64, scratch_operands = 11 : i64, tpu.core_type = #tpu.core_type<sc_vector_subcore>, window_params = [{transform_indices = #map}, {transform_indices = #map1}, {transform_indices = #map1}, {transform_indices = #map}, {transform_indices = #map}]} {
    %mul3A = arith.constant 2 : i32
    %mul3A_0 = arith.muli %arg1, %mul3A : i32
    %add3A = arith.addi %mul3A_0, %arg0 : i32
    %mul3A_1 = arith.constant 10000 : i32
    %mul3A_2 = arith.muli %add3A, %mul3A_1 : i32
    %dma_start3A = tpu.memref_slice %arg3[%mul3A_2] : memref<320000xi32, #tpu.memory_space<hbm>> -> memref<10000xi32, #tpu.memory_space<hbm>>
    %dma_start3A_3 = tpu.memref_slice %arg3[%mul3A_2] : memref<320000xi32, #tpu.memory_space<hbm>> -> memref<10000xi32, #tpu.memory_space<hbm>>
    tpu.enqueue_dma source(%dma_start3A_3 : memref<10000xi32, #tpu.memory_space<hbm>>) target(%arg7 : memref<10000xi32, #tpu.memory_space<vmem>>) target_semaphore(%arg14 : memref<!tpu.dma_semaphore, #tpu.memory_space<semaphore_mem>>)
    %dma_start3A_4 = tpu.memref_slice %arg4[%mul3A_2] : memref<320000xi32, #tpu.memory_space<hbm>> -> memref<10000xi32, #tpu.memory_space<hbm>>
    %dma_start3A_5 = tpu.memref_slice %arg4[%mul3A_2] : memref<320000xi32, #tpu.memory_space<hbm>> -> memref<10000xi32, #tpu.memory_space<hbm>>
    tpu.enqueue_dma source(%dma_start3A_5 : memref<10000xi32, #tpu.memory_space<hbm>>) target(%arg8 : memref<10000xi32, #tpu.memory_space<vmem>>) target_semaphore(%arg15 : memref<!tpu.dma_semaphore, #tpu.memory_space<semaphore_mem>>)
    %mul3A_6 = arith.constant 640 : i32
    %mul3A_7 = arith.muli %arg1, %mul3A_6 : i32
    "tpu.region"() ({
      %run_scoped3A = tpu.sem_alloc : memref<!tpu.dma_semaphore, #tpu.memory_space<semaphore_mem>>
      %dma_start3A_90 = arith.constant 0 : i32
      %dma_start3A_91 = tpu.memref_slice %arg13[%mul3A_7, %dma_start3A_90] : memref<10240x128xf32, #tpu.memory_space<vmem_shared>> -> memref<640x128xf32, #tpu.memory_space<vmem_shared>>
      tpu.enqueue_dma source(%arg5 : memref<640x128xf32, #tpu.memory_space<hbm>>) target(%dma_start3A_91 : memref<640x128xf32, #tpu.memory_space<vmem_shared>>) target_semaphore(%run_scoped3A : memref<!tpu.dma_semaphore, #tpu.memory_space<semaphore_mem>>)
      %dma_wait3A_92 = arith.constant 0 : i32
      %dma_wait3A_93 = tpu.memref_slice %arg13[%mul3A_7, %dma_wait3A_92] : memref<10240x128xf32, #tpu.memory_space<vmem_shared>> -> memref<640x128xf32, #tpu.memory_space<vmem_shared>>
      tpu.wait_dma2 semaphore(%run_scoped3A : memref<!tpu.dma_semaphore, #tpu.memory_space<semaphore_mem>>) src(%arg5 : memref<640x128xf32, #tpu.memory_space<hbm>>) dst(%dma_wait3A_93 : memref<640x128xf32, #tpu.memory_space<vmem_shared>>)
      tpu.yield
    }) : () -> ()
    %dma_wait3A = tpu.memref_slice %arg3[%mul3A_2] : memref<320000xi32, #tpu.memory_space<hbm>> -> memref<10000xi32, #tpu.memory_space<hbm>>
    %dma_wait3A_8 = tpu.memref_slice %arg3[%mul3A_2] : memref<320000xi32, #tpu.memory_space<hbm>> -> memref<10000xi32, #tpu.memory_space<hbm>>
    tpu.wait_dma2 semaphore(%arg14 : memref<!tpu.dma_semaphore, #tpu.memory_space<semaphore_mem>>) src(%dma_wait3A_8 : memref<10000xi32, #tpu.memory_space<hbm>>) dst(%arg7 : memref<10000xi32, #tpu.memory_space<vmem>>)
    %dma_wait3A_9 = tpu.memref_slice %arg4[%mul3A_2] : memref<320000xi32, #tpu.memory_space<hbm>> -> memref<10000xi32, #tpu.memory_space<hbm>>
    %dma_wait3A_10 = tpu.memref_slice %arg4[%mul3A_2] : memref<320000xi32, #tpu.memory_space<hbm>> -> memref<10000xi32, #tpu.memory_space<hbm>>
    tpu.wait_dma2 semaphore(%arg15 : memref<!tpu.dma_semaphore, #tpu.memory_space<semaphore_mem>>) src(%dma_wait3A_10 : memref<10000xi32, #tpu.memory_space<hbm>>) dst(%arg8 : memref<10000xi32, #tpu.memory_space<vmem>>)
    %barrier3A = arith.constant 0 : index
    tpu.barrier barrier_id(%barrier3A)
    %dma_start3A_11 = arith.constant 0 : i32
    %dma_start3A_12 = tpu.memref_slice %arg7[%dma_start3A_11] : memref<10000xi32, #tpu.memory_space<vmem>> -> memref<80xi32, #tpu.memory_space<vmem>>
    %dma_start3A_13 = arith.constant 0 : i32
    %dma_start3A_14 = arith.constant 0 : i32
    %dma_start3A_15 = tpu.memref_slice %arg2[%dma_start3A_13, %dma_start3A_14] : memref<10000x128xf32, #tpu.memory_space<hbm>> -> memref<10000x128xf32, #tpu.memory_space<hbm>>
    tpu.enqueue_indirect_dma source(%dma_start3A_15 : memref<10000x128xf32, #tpu.memory_space<hbm>>) target(%arg11 : memref<80x128xf32, #tpu.memory_space<vmem>>) offsets(%dma_start3A_12 : memref<80xi32, #tpu.memory_space<vmem>>) semaphore(%arg14 : memref<!tpu.dma_semaphore, #tpu.memory_space<semaphore_mem>>)
    %scan3A = arith.constant 0 : i32
    %scan3A_16 = arith.constant 0 : i32
    %scan3A_17 = arith.constant 5 : i32
    %scan3A_18 = arith.addi %scan3A_16, %scan3A_17 : i32
    %scan3A_19 = arith.constant 1 : i32
    scf.for %scan3A_90 = %scan3A_16 to %scan3A_18 step %scan3A_19  : i32 {
      %mul3A_91 = arith.constant 16 : i32
      %mul3A_92 = arith.muli %scan3A_90, %mul3A_91 : i32
      %add3A_93 = arith.constant 0 : i32
      %add3A_94 = arith.addi %add3A_93, %mul3A_92 : i32
      %get3A = arith.index_cast %add3A_94 : i32 to index
      %get3A_95 = tpu.vector_load %arg8[%get3A] {strides = array<i32>} : memref<10000xi32, #tpu.memory_space<vmem>>, vector<16xi32>,
      %mul3A_96 = arith.constant 16 : i32
      %mul3A_97 = arith.muli %scan3A_90, %mul3A_96 : i32
      %swap3A = arith.index_cast %mul3A_97 : i32 to index
      %swap3A_98 = tpu.vector_load %arg9[%swap3A] {strides = array<i32>} : memref<80xi32, #tpu.memory_space<vmem>>, vector<16xi32>,
      %swap3A_99 = vector.shape_cast %swap3A_98 : vector<16xi32> to vector<16xi32>
      %swap3A_100 = vector.shape_cast %get3A_95 : vector<16xi32> to vector<16xi32>
      tpu.vector_store %arg9[%swap3A], %swap3A_100 {strides = array<i32>} : memref<80xi32, #tpu.memory_space<vmem>>, vector<16xi32>,
    }
    %scan3A_20 = arith.constant 5 : i32
    %dma_start3A_21 = arith.constant 80 : i32
    %dma_start3A_22 = tpu.memref_slice %arg7[%dma_start3A_21] : memref<10000xi32, #tpu.memory_space<vmem>> -> memref<80xi32, #tpu.memory_space<vmem>>
    %dma_start3A_23 = arith.constant 0 : i32
    %dma_start3A_24 = arith.constant 0 : i32
    %dma_start3A_25 = tpu.memref_slice %arg2[%dma_start3A_23, %dma_start3A_24] : memref<10000x128xf32, #tpu.memory_space<hbm>> -> memref<10000x128xf32, #tpu.memory_space<hbm>>
    tpu.enqueue_indirect_dma source(%dma_start3A_25 : memref<10000x128xf32, #tpu.memory_space<hbm>>) target(%arg12 : memref<80x128xf32, #tpu.memory_space<vmem>>) offsets(%dma_start3A_22 : memref<80xi32, #tpu.memory_space<vmem>>) semaphore(%arg15 : memref<!tpu.dma_semaphore, #tpu.memory_space<semaphore_mem>>)
    %scan3A_26 = arith.constant 0 : i32
    %scan3A_27 = arith.constant 0 : i32
    %scan3A_28 = arith.constant 5 : i32
    %scan3A_29 = arith.addi %scan3A_27, %scan3A_28 : i32
    %scan3A_30 = arith.constant 1 : i32
    scf.for %scan3A_90 = %scan3A_27 to %scan3A_29 step %scan3A_30  : i32 {
      %mul3A_91 = arith.constant 16 : i32
      %mul3A_92 = arith.muli %scan3A_90, %mul3A_91 : i32
      %add3A_93 = arith.constant 80 : i32
      %add3A_94 = arith.addi %add3A_93, %mul3A_92 : i32
      %get3A = arith.index_cast %add3A_94 : i32 to index
      %get3A_95 = tpu.vector_load %arg8[%get3A] {strides = array<i32>} : memref<10000xi32, #tpu.memory_space<vmem>>, vector<16xi32>,
      %mul3A_96 = arith.constant 16 : i32
      %mul3A_97 = arith.muli %scan3A_90, %mul3A_96 : i32
      %swap3A = arith.index_cast %mul3A_97 : i32 to index
      %swap3A_98 = tpu.vector_load %arg10[%swap3A] {strides = array<i32>} : memref<80xi32, #tpu.memory_space<vmem>>, vector<16xi32>,
      %swap3A_99 = vector.shape_cast %swap3A_98 : vector<16xi32> to vector<16xi32>
      %swap3A_100 = vector.shape_cast %get3A_95 : vector<16xi32> to vector<16xi32>
      tpu.vector_store %arg10[%swap3A], %swap3A_100 {strides = array<i32>} : memref<80xi32, #tpu.memory_space<vmem>>, vector<16xi32>,
    }
    %scan3A_31 = arith.constant 5 : i32
    %dma_wait3A_32 = arith.constant 0 : i32
    %dma_wait3A_33 = tpu.memref_slice %arg7[%dma_wait3A_32] : memref<10000xi32, #tpu.memory_space<vmem>> -> memref<80xi32, #tpu.memory_space<vmem>>
    %dma_wait3A_34 = arith.constant 0 : i32
    %dma_wait3A_35 = arith.constant 0 : i32
    %dma_wait3A_36 = tpu.memref_slice %arg2[%dma_wait3A_34, %dma_wait3A_35] : memref<10000x128xf32, #tpu.memory_space<hbm>> -> memref<10000x128xf32, #tpu.memory_space<hbm>>
    tpu.wait_indirect_dma semaphore(%arg14 : memref<!tpu.dma_semaphore, #tpu.memory_space<semaphore_mem>>) src(%dma_wait3A_36 : memref<10000x128xf32, #tpu.memory_space<hbm>>) dst(%arg11 : memref<80x128xf32, #tpu.memory_space<vmem>>)
    %dma_start3A_37 = arith.constant 0 : i32
    %dma_start3A_38 = arith.constant 0 : i32
    %dma_start3A_39 = tpu.memref_slice %arg13[%dma_start3A_37, %dma_start3A_38] : memref<10240x128xf32, #tpu.memory_space<vmem_shared>> -> memref<10240x128xf32, #tpu.memory_space<vmem_shared>>
    tpu.enqueue_indirect_dma source(%arg11 : memref<80x128xf32, #tpu.memory_space<vmem>>) target(%dma_start3A_39 : memref<10240x128xf32, #tpu.memory_space<vmem_shared>>) offsets(%arg9 : memref<80xi32, #tpu.memory_space<vmem>>) semaphore(%arg16 : memref<!tpu.dma_semaphore, #tpu.memory_space<semaphore_mem>>) {add = true}
    %dma_wait3A_40 = arith.constant 0 : i32
    %dma_wait3A_41 = arith.constant 0 : i32
    %dma_wait3A_42 = tpu.memref_slice %arg13[%dma_wait3A_40, %dma_wait3A_41] : memref<10240x128xf32, #tpu.memory_space<vmem_shared>> -> memref<10240x128xf32, #tpu.memory_space<vmem_shared>>
    tpu.wait_indirect_dma semaphore(%arg16 : memref<!tpu.dma_semaphore, #tpu.memory_space<semaphore_mem>>) src(%arg11 : memref<80x128xf32, #tpu.memory_space<vmem>>) dst(%dma_wait3A_42 : memref<10240x128xf32, #tpu.memory_space<vmem_shared>>)
    %dma_start3A_43 = arith.constant 160 : i32
    %dma_start3A_44 = tpu.memref_slice %arg7[%dma_start3A_43] : memref<10000xi32, #tpu.memory_space<vmem>> -> memref<80xi32, #tpu.memory_space<vmem>>
    %dma_start3A_45 = arith.constant 0 : i32
    %dma_start3A_46 = arith.constant 0 : i32
    %dma_start3A_47 = tpu.memref_slice %arg2[%dma_start3A_45, %dma_start3A_46] : memref<10000x128xf32, #tpu.memory_space<hbm>> -> memref<10000x128xf32, #tpu.memory_space<hbm>>
    tpu.enqueue_indirect_dma source(%dma_start3A_47 : memref<10000x128xf32, #tpu.memory_space<hbm>>) target(%arg11 : memref<80x128xf32, #tpu.memory_space<vmem>>) offsets(%dma_start3A_44 : memref<80xi32, #tpu.memory_space<vmem>>) semaphore(%arg14 : memref<!tpu.dma_semaphore, #tpu.memory_space<semaphore_mem>>)
    %scan3A_48 = arith.constant 0 : i32
    %scan3A_49 = arith.constant 0 : i32
    %scan3A_50 = arith.constant 5 : i32
    %scan3A_51 = arith.addi %scan3A_49, %scan3A_50 : i32
    %scan3A_52 = arith.constant 1 : i32
    scf.for %scan3A_90 = %scan3A_49 to %scan3A_51 step %scan3A_52  : i32 {
      %mul3A_91 = arith.constant 16 : i32
      %mul3A_92 = arith.muli %scan3A_90, %mul3A_91 : i32
      %add3A_93 = arith.constant 160 : i32
      %add3A_94 = arith.addi %add3A_93, %mul3A_92 : i32
      %get3A = arith.index_cast %add3A_94 : i32 to index
      %get3A_95 = tpu.vector_load %arg8[%get3A] {strides = array<i32>} : memref<10000xi32, #tpu.memory_space<vmem>>, vector<16xi32>,
      %mul3A_96 = arith.constant 16 : i32
      %mul3A_97 = arith.muli %scan3A_90, %mul3A_96 : i32
      %swap3A = arith.index_cast %mul3A_97 : i32 to index
      %swap3A_98 = tpu.vector_load %arg9[%swap3A] {strides = array<i32>} : memref<80xi32, #tpu.memory_space<vmem>>, vector<16xi32>,
      %swap3A_99 = vector.shape_cast %swap3A_98 : vector<16xi32> to vector<16xi32>
      %swap3A_100 = vector.shape_cast %get3A_95 : vector<16xi32> to vector<16xi32>
      tpu.vector_store %arg9[%swap3A], %swap3A_100 {strides = array<i32>} : memref<80xi32, #tpu.memory_space<vmem>>, vector<16xi32>,
    }
    %scan3A_53 = arith.constant 5 : i32
    %dma_wait3A_54 = arith.constant 80 : i32
    %dma_wait3A_55 = tpu.memref_slice %arg7[%dma_wait3A_54] : memref<10000xi32, #tpu.memory_space<vmem>> -> memref<80xi32, #tpu.memory_space<vmem>>
    %dma_wait3A_56 = arith.constant 0 : i32
    %dma_wait3A_57 = arith.constant 0 : i32
    %dma_wait3A_58 = tpu.memref_slice %arg2[%dma_wait3A_56, %dma_wait3A_57] : memref<10000x128xf32, #tpu.memory_space<hbm>> -> memref<10000x128xf32, #tpu.memory_space<hbm>>
    tpu.wait_indirect_dma semaphore(%arg15 : memref<!tpu.dma_semaphore, #tpu.memory_space<semaphore_mem>>) src(%dma_wait3A_58 : memref<10000x128xf32, #tpu.memory_space<hbm>>) dst(%arg12 : memref<80x128xf32, #tpu.memory_space<vmem>>)
    %dma_start3A_59 = arith.constant 0 : i32
    %dma_start3A_60 = arith.constant 0 : i32
    %dma_start3A_61 = tpu.memref_slice %arg13[%dma_start3A_59, %dma_start3A_60] : memref<10240x128xf32, #tpu.memory_space<vmem_shared>> -> memref<10240x128xf32, #tpu.memory_space<vmem_shared>>
    tpu.enqueue_indirect_dma source(%arg12 : memref<80x128xf32, #tpu.memory_space<vmem>>) target(%dma_start3A_61 : memref<10240x128xf32, #tpu.memory_space<vmem_shared>>) offsets(%arg10 : memref<80xi32, #tpu.memory_space<vmem>>) semaphore(%arg17 : memref<!tpu.dma_semaphore, #tpu.memory_space<semaphore_mem>>) {add = true}
    %scan3A_62 = arith.constant 0 : i32
    %scan3A_63 = arith.constant 0 : i32
    %scan3A_64 = arith.constant 61 : i32
    %scan3A_65 = arith.addi %scan3A_63, %scan3A_64 : i32
    %scan3A_66 = arith.constant 1 : i32
    scf.for %scan3A_90 = %scan3A_63 to %scan3A_65 step %scan3A_66  : i32 {
      %mul3A_91 = arith.constant 2 : i32
      %mul3A_92 = arith.muli %mul3A_91, %scan3A_90 : i32
      %add3A_93 = arith.constant 2 : i32
      %add3A_94 = arith.addi %add3A_93, %mul3A_92 : i32
      %add3A_95 = arith.constant 0 : i32
      %add3A_96 = arith.addi %add3A_94, %add3A_95 : i32
      %dma_wait3A_97 = arith.constant 0 : i32
      %dma_wait3A_98 = arith.constant 0 : i32
      %dma_wait3A_99 = tpu.memref_slice %arg13[%dma_wait3A_97, %dma_wait3A_98] : memref<10240x128xf32, #tpu.memory_space<vmem_shared>> -> memref<10240x128xf32, #tpu.memory_space<vmem_shared>>
      tpu.wait_indirect_dma semaphore(%arg17 : memref<!tpu.dma_semaphore, #tpu.memory_space<semaphore_mem>>) src(%arg12 : memref<80x128xf32, #tpu.memory_space<vmem>>) dst(%dma_wait3A_99 : memref<10240x128xf32, #tpu.memory_space<vmem_shared>>)
      %add3A_100 = arith.constant 2 : i32
      %add3A_101 = arith.addi %add3A_96, %add3A_100 : i32
      %sub3A = arith.constant 1 : i32
      %sub3A_102 = arith.subi %add3A_101, %sub3A : i32
      %mul3A_103 = arith.constant 80 : i32
      %mul3A_104 = arith.muli %sub3A_102, %mul3A_103 : i32
      %dma_start3A_105 = tpu.memref_slice %arg7[%mul3A_104] : memref<10000xi32, #tpu.memory_space<vmem>> -> memref<80xi32, #tpu.memory_space<vmem>>
      %dma_start3A_106 = arith.constant 0 : i32
      %dma_start3A_107 = arith.constant 0 : i32
      %dma_start3A_108 = tpu.memref_slice %arg2[%dma_start3A_106, %dma_start3A_107] : memref<10000x128xf32, #tpu.memory_space<hbm>> -> memref<10000x128xf32, #tpu.memory_space<hbm>>
      tpu.enqueue_indirect_dma source(%dma_start3A_108 : memref<10000x128xf32, #tpu.memory_space<hbm>>) target(%arg12 : memref<80x128xf32, #tpu.memory_space<vmem>>) offsets(%dma_start3A_105 : memref<80xi32, #tpu.memory_space<vmem>>) semaphore(%arg15 : memref<!tpu.dma_semaphore, #tpu.memory_space<semaphore_mem>>)
      %add3A_109 = arith.constant 2 : i32
      %add3A_110 = arith.addi %add3A_96, %add3A_109 : i32
      %sub3A_111 = arith.constant 1 : i32
      %sub3A_112 = arith.subi %add3A_110, %sub3A_111 : i32
      %scan3A_113 = arith.constant 0 : i32
      %scan3A_114 = arith.constant 0 : i32
      %scan3A_115 = arith.constant 5 : i32
      %scan3A_116 = arith.addi %scan3A_114, %scan3A_115 : i32
      %scan3A_117 = arith.constant 1 : i32
      scf.for %scan3A_166 = %scan3A_114 to %scan3A_116 step %scan3A_117  : i32 {
        %mul3A_167 = arith.constant 80 : i32
        %mul3A_168 = arith.muli %sub3A_112, %mul3A_167 : i32
        %mul3A_169 = arith.constant 16 : i32
        %mul3A_170 = arith.muli %scan3A_166, %mul3A_169 : i32
        %add3A_171 = arith.addi %mul3A_168, %mul3A_170 : i32
        %get3A = arith.index_cast %add3A_171 : i32 to index
        %get3A_172 = tpu.vector_load %arg8[%get3A] {strides = array<i32>} : memref<10000xi32, #tpu.memory_space<vmem>>, vector<16xi32>,
        %mul3A_173 = arith.constant 16 : i32
        %mul3A_174 = arith.muli %scan3A_166, %mul3A_173 : i32
        %swap3A = arith.index_cast %mul3A_174 : i32 to index
        %swap3A_175 = tpu.vector_load %arg10[%swap3A] {strides = array<i32>} : memref<80xi32, #tpu.memory_space<vmem>>, vector<16xi32>,
        %swap3A_176 = vector.shape_cast %swap3A_175 : vector<16xi32> to vector<16xi32>
        %swap3A_177 = vector.shape_cast %get3A_172 : vector<16xi32> to vector<16xi32>
        tpu.vector_store %arg10[%swap3A], %swap3A_177 {strides = array<i32>} : memref<80xi32, #tpu.memory_space<vmem>>, vector<16xi32>,
      }
      %scan3A_118 = arith.constant 5 : i32
      %mul3A_119 = arith.constant 80 : i32
      %mul3A_120 = arith.muli %add3A_96, %mul3A_119 : i32
      %dma_wait3A_121 = tpu.memref_slice %arg7[%mul3A_120] : memref<10000xi32, #tpu.memory_space<vmem>> -> memref<80xi32, #tpu.memory_space<vmem>>
      %dma_wait3A_122 = arith.constant 0 : i32
      %dma_wait3A_123 = arith.constant 0 : i32
      %dma_wait3A_124 = tpu.memref_slice %arg2[%dma_wait3A_122, %dma_wait3A_123] : memref<10000x128xf32, #tpu.memory_space<hbm>> -> memref<10000x128xf32, #tpu.memory_space<hbm>>
      tpu.wait_indirect_dma semaphore(%arg14 : memref<!tpu.dma_semaphore, #tpu.memory_space<semaphore_mem>>) src(%dma_wait3A_124 : memref<10000x128xf32, #tpu.memory_space<hbm>>) dst(%arg11 : memref<80x128xf32, #tpu.memory_space<vmem>>)
      %dma_start3A_125 = arith.constant 0 : i32
      %dma_start3A_126 = arith.constant 0 : i32
      %dma_start3A_127 = tpu.memref_slice %arg13[%dma_start3A_125, %dma_start3A_126] : memref<10240x128xf32, #tpu.memory_space<vmem_shared>> -> memref<10240x128xf32, #tpu.memory_space<vmem_shared>>
      tpu.enqueue_indirect_dma source(%arg11 : memref<80x128xf32, #tpu.memory_space<vmem>>) target(%dma_start3A_127 : memref<10240x128xf32, #tpu.memory_space<vmem_shared>>) offsets(%arg9 : memref<80xi32, #tpu.memory_space<vmem>>) semaphore(%arg16 : memref<!tpu.dma_semaphore, #tpu.memory_space<semaphore_mem>>) {add = true}
      %mul3A_128 = arith.constant 2 : i32
      %mul3A_129 = arith.muli %mul3A_128, %scan3A_90 : i32
      %add3A_130 = arith.constant 2 : i32
      %add3A_131 = arith.addi %add3A_130, %mul3A_129 : i32
      %add3A_132 = arith.constant 1 : i32
      %add3A_133 = arith.addi %add3A_131, %add3A_132 : i32
      %dma_wait3A_134 = arith.constant 0 : i32
      %dma_wait3A_135 = arith.constant 0 : i32
      %dma_wait3A_136 = tpu.memref_slice %arg13[%dma_wait3A_134, %dma_wait3A_135] : memref<10240x128xf32, #tpu.memory_space<vmem_shared>> -> memref<10240x128xf32, #tpu.memory_space<vmem_shared>>
      tpu.wait_indirect_dma semaphore(%arg16 : memref<!tpu.dma_semaphore, #tpu.memory_space<semaphore_mem>>) src(%arg11 : memref<80x128xf32, #tpu.memory_space<vmem>>) dst(%dma_wait3A_136 : memref<10240x128xf32, #tpu.memory_space<vmem_shared>>)
      %add3A_137 = arith.constant 2 : i32
      %add3A_138 = arith.addi %add3A_133, %add3A_137 : i32
      %sub3A_139 = arith.constant 1 : i32
      %sub3A_140 = arith.subi %add3A_138, %sub3A_139 : i32
      %mul3A_141 = arith.constant 80 : i32
      %mul3A_142 = arith.muli %sub3A_140, %mul3A_141 : i32
      %dma_start3A_143 = tpu.memref_slice %arg7[%mul3A_142] : memref<10000xi32, #tpu.memory_space<vmem>> -> memref<80xi32, #tpu.memory_space<vmem>>
      %dma_start3A_144 = arith.constant 0 : i32
      %dma_start3A_145 = arith.constant 0 : i32
      %dma_start3A_146 = tpu.memref_slice %arg2[%dma_start3A_144, %dma_start3A_145] : memref<10000x128xf32, #tpu.memory_space<hbm>> -> memref<10000x128xf32, #tpu.memory_space<hbm>>
      tpu.enqueue_indirect_dma source(%dma_start3A_146 : memref<10000x128xf32, #tpu.memory_space<hbm>>) target(%arg11 : memref<80x128xf32, #tpu.memory_space<vmem>>) offsets(%dma_start3A_143 : memref<80xi32, #tpu.memory_space<vmem>>) semaphore(%arg14 : memref<!tpu.dma_semaphore, #tpu.memory_space<semaphore_mem>>)
      %add3A_147 = arith.constant 2 : i32
      %add3A_148 = arith.addi %add3A_133, %add3A_147 : i32
      %sub3A_149 = arith.constant 1 : i32
      %sub3A_150 = arith.subi %add3A_148, %sub3A_149 : i32
      %scan3A_151 = arith.constant 0 : i32
      %scan3A_152 = arith.constant 0 : i32
      %scan3A_153 = arith.constant 5 : i32
      %scan3A_154 = arith.addi %scan3A_152, %scan3A_153 : i32
      %scan3A_155 = arith.constant 1 : i32
      scf.for %scan3A_166 = %scan3A_152 to %scan3A_154 step %scan3A_155  : i32 {
        %mul3A_167 = arith.constant 80 : i32
        %mul3A_168 = arith.muli %sub3A_150, %mul3A_167 : i32
        %mul3A_169 = arith.constant 16 : i32
        %mul3A_170 = arith.muli %scan3A_166, %mul3A_169 : i32
        %add3A_171 = arith.addi %mul3A_168, %mul3A_170 : i32
        %get3A = arith.index_cast %add3A_171 : i32 to index
        %get3A_172 = tpu.vector_load %arg8[%get3A] {strides = array<i32>} : memref<10000xi32, #tpu.memory_space<vmem>>, vector<16xi32>,
        %mul3A_173 = arith.constant 16 : i32
        %mul3A_174 = arith.muli %scan3A_166, %mul3A_173 : i32
        %swap3A = arith.index_cast %mul3A_174 : i32 to index
        %swap3A_175 = tpu.vector_load %arg9[%swap3A] {strides = array<i32>} : memref<80xi32, #tpu.memory_space<vmem>>, vector<16xi32>,
        %swap3A_176 = vector.shape_cast %swap3A_175 : vector<16xi32> to vector<16xi32>
        %swap3A_177 = vector.shape_cast %get3A_172 : vector<16xi32> to vector<16xi32>
        tpu.vector_store %arg9[%swap3A], %swap3A_177 {strides = array<i32>} : memref<80xi32, #tpu.memory_space<vmem>>, vector<16xi32>,
      }
      %scan3A_156 = arith.constant 5 : i32
      %mul3A_157 = arith.constant 80 : i32
      %mul3A_158 = arith.muli %add3A_133, %mul3A_157 : i32
      %dma_wait3A_159 = tpu.memref_slice %arg7[%mul3A_158] : memref<10000xi32, #tpu.memory_space<vmem>> -> memref<80xi32, #tpu.memory_space<vmem>>
      %dma_wait3A_160 = arith.constant 0 : i32
      %dma_wait3A_161 = arith.constant 0 : i32
      %dma_wait3A_162 = tpu.memref_slice %arg2[%dma_wait3A_160, %dma_wait3A_161] : memref<10000x128xf32, #tpu.memory_space<hbm>> -> memref<10000x128xf32, #tpu.memory_space<hbm>>
      tpu.wait_indirect_dma semaphore(%arg15 : memref<!tpu.dma_semaphore, #tpu.memory_space<semaphore_mem>>) src(%dma_wait3A_162 : memref<10000x128xf32, #tpu.memory_space<hbm>>) dst(%arg12 : memref<80x128xf32, #tpu.memory_space<vmem>>)
      %dma_start3A_163 = arith.constant 0 : i32
      %dma_start3A_164 = arith.constant 0 : i32
      %dma_start3A_165 = tpu.memref_slice %arg13[%dma_start3A_163, %dma_start3A_164] : memref<10240x128xf32, #tpu.memory_space<vmem_shared>> -> memref<10240x128xf32, #tpu.memory_space<vmem_shared>>
      tpu.enqueue_indirect_dma source(%arg12 : memref<80x128xf32, #tpu.memory_space<vmem>>) target(%dma_start3A_165 : memref<10240x128xf32, #tpu.memory_space<vmem_shared>>) offsets(%arg10 : memref<80xi32, #tpu.memory_space<vmem>>) semaphore(%arg17 : memref<!tpu.dma_semaphore, #tpu.memory_space<semaphore_mem>>) {add = true}
    }
    %scan3A_67 = arith.constant 61 : i32
    %dma_wait3A_68 = arith.constant 9920 : i32
    %dma_wait3A_69 = tpu.memref_slice %arg7[%dma_wait3A_68] : memref<10000xi32, #tpu.memory_space<vmem>> -> memref<80xi32, #tpu.memory_space<vmem>>
    %dma_wait3A_70 = arith.constant 0 : i32
    %dma_wait3A_71 = arith.constant 0 : i32
    %dma_wait3A_72 = tpu.memref_slice %arg2[%dma_wait3A_70, %dma_wait3A_71] : memref<10000x128xf32, #tpu.memory_space<hbm>> -> memref<10000x128xf32, #tpu.memory_space<hbm>>
    tpu.wait_indirect_dma semaphore(%arg14 : memref<!tpu.dma_semaphore, #tpu.memory_space<semaphore_mem>>) src(%dma_wait3A_72 : memref<10000x128xf32, #tpu.memory_space<hbm>>) dst(%arg11 : memref<80x128xf32, #tpu.memory_space<vmem>>)
    %dma_start3A_73 = arith.constant 0 : i32
    %dma_start3A_74 = arith.constant 0 : i32
    %dma_start3A_75 = tpu.memref_slice %arg13[%dma_start3A_73, %dma_start3A_74] : memref<10240x128xf32, #tpu.memory_space<vmem_shared>> -> memref<10240x128xf32, #tpu.memory_space<vmem_shared>>
    tpu.enqueue_indirect_dma source(%arg11 : memref<80x128xf32, #tpu.memory_space<vmem>>) target(%dma_start3A_75 : memref<10240x128xf32, #tpu.memory_space<vmem_shared>>) offsets(%arg9 : memref<80xi32, #tpu.memory_space<vmem>>) semaphore(%arg16 : memref<!tpu.dma_semaphore, #tpu.memory_space<semaphore_mem>>) {add = true}
    %dma_wait3A_76 = arith.constant 0 : i32
    %dma_wait3A_77 = arith.constant 0 : i32
    %dma_wait3A_78 = tpu.memref_slice %arg13[%dma_wait3A_76, %dma_wait3A_77] : memref<10240x128xf32, #tpu.memory_space<vmem_shared>> -> memref<10240x128xf32, #tpu.memory_space<vmem_shared>>
    tpu.wait_indirect_dma semaphore(%arg16 : memref<!tpu.dma_semaphore, #tpu.memory_space<semaphore_mem>>) src(%arg11 : memref<80x128xf32, #tpu.memory_space<vmem>>) dst(%dma_wait3A_78 : memref<10240x128xf32, #tpu.memory_space<vmem_shared>>)
    %dma_wait3A_79 = arith.constant 0 : i32
    %dma_wait3A_80 = arith.constant 0 : i32
    %dma_wait3A_81 = tpu.memref_slice %arg13[%dma_wait3A_79, %dma_wait3A_80] : memref<10240x128xf32, #tpu.memory_space<vmem_shared>> -> memref<10240x128xf32, #tpu.memory_space<vmem_shared>>
    tpu.wait_indirect_dma semaphore(%arg17 : memref<!tpu.dma_semaphore, #tpu.memory_space<semaphore_mem>>) src(%arg12 : memref<80x128xf32, #tpu.memory_space<vmem>>) dst(%dma_wait3A_81 : memref<10240x128xf32, #tpu.memory_space<vmem_shared>>)
    %barrier3A_82 = arith.constant 0 : index
    tpu.barrier barrier_id(%barrier3A_82)
    %mul3A_83 = arith.constant 640 : i32
    %mul3A_84 = arith.muli %arg1, %mul3A_83 : i32
    %mul3A_85 = arith.constant 10240 : i32
    %mul3A_86 = arith.muli %arg0, %mul3A_85 : i32
    %mul3A_87 = arith.constant 640 : i32
    %mul3A_88 = arith.muli %arg1, %mul3A_87 : i32
    %add3A_89 = arith.addi %mul3A_86, %mul3A_88 : i32
    "tpu.region"() ({
      %run_scoped3A = tpu.sem_alloc : memref<!tpu.dma_semaphore, #tpu.memory_space<semaphore_mem>>
      %dma_start3A_90 = arith.constant 0 : i32
      %dma_start3A_91 = tpu.memref_slice %arg6[%add3A_89, %dma_start3A_90] : memref<20480x128xf32, #tpu.memory_space<hbm>> -> memref<640x128xf32, #tpu.memory_space<hbm>>
      %dma_start3A_92 = arith.constant 0 : i32
      %dma_start3A_93 = tpu.memref_slice %arg13[%mul3A_84, %dma_start3A_92] : memref<10240x128xf32, #tpu.memory_space<vmem_shared>> -> memref<640x128xf32, #tpu.memory_space<vmem_shared>>
      tpu.enqueue_dma source(%dma_start3A_93 : memref<640x128xf32, #tpu.memory_space<vmem_shared>>) target(%dma_start3A_91 : memref<640x128xf32, #tpu.memory_space<hbm>>) target_semaphore(%run_scoped3A : memref<!tpu.dma_semaphore, #tpu.memory_space<semaphore_mem>>)
      %dma_wait3A_94 = arith.constant 0 : i32
      %dma_wait3A_95 = tpu.memref_slice %arg6[%add3A_89, %dma_wait3A_94] : memref<20480x128xf32, #tpu.memory_space<hbm>> -> memref<640x128xf32, #tpu.memory_space<hbm>>
      %dma_wait3A_96 = arith.constant 0 : i32
      %dma_wait3A_97 = tpu.memref_slice %arg13[%mul3A_84, %dma_wait3A_96] : memref<10240x128xf32, #tpu.memory_space<vmem_shared>> -> memref<640x128xf32, #tpu.memory_space<vmem_shared>>
      tpu.wait_dma2 semaphore(%run_scoped3A : memref<!tpu.dma_semaphore, #tpu.memory_space<semaphore_mem>>) src(%dma_wait3A_97 : memref<640x128xf32, #tpu.memory_space<vmem_shared>>) dst(%dma_wait3A_95 : memref<640x128xf32, #tpu.memory_space<hbm>>)
      tpu.yield
    }) : () -> ()
    return
  }
}

#map = affine_map<(d0, d1) -> (0)>
#map1 = affine_map<(d0, d1) -> (0, 0)>
module attributes {stable_mosaic.version = 14 : i64} {
  func.func @k(%arg0: i32, %arg1: i32, %arg2: memref<320000xi32, #tpu.memory_space<hbm>>, %arg3: memref<32x10240xf32, #tpu.memory_space<hbm>>, %arg4: memref<10000xi32, #tpu.memory_space<vmem>>, %arg5: memref<10240xf32, #tpu.memory_space<vmem>>) attributes {dimension_semantics = [#tpu.dimension_semantics<core_parallel>, #tpu.dimension_semantics<subcore_parallel>], iteration_bounds = array<i64: 2, 16>, scalar_prefetch = 0 : i64, scratch_operands = 2 : i64, tpu.core_type = #tpu.core_type<sc_vector_subcore>, window_params = [{transform_indices = #map}, {transform_indices = #map1}]} {
    %mul3A = arith.constant 2 : i32
    %mul3A_0 = arith.muli %arg1, %mul3A : i32
    %add3A = arith.addi %mul3A_0, %arg0 : i32
    %broadcast_in_dim3A = arith.constant 0.000000e+00 : f32
    %broadcast_in_dim3A_1 = vector.broadcast %broadcast_in_dim3A : f32 to vector<16xf32>
    %scan3A = arith.constant 0 : i32
    %scan3A_2 = arith.constant 0 : i32
    %scan3A_3 = arith.constant 640 : i32
    %scan3A_4 = arith.addi %scan3A_2, %scan3A_3 : i32
    %scan3A_5 = arith.constant 1 : i32
    scf.for %scan3A_20 = %scan3A_2 to %scan3A_4 step %scan3A_5  : i32 {
      %mul3A_21 = arith.constant 16 : i32
      %mul3A_22 = arith.muli %scan3A_20, %mul3A_21 : i32
      %swap3A = arith.index_cast %mul3A_22 : i32 to index
      %swap3A_23 = tpu.vector_load %arg5[%swap3A] {strides = array<i32>} : memref<10240xf32, #tpu.memory_space<vmem>>, vector<16xf32>,
      tpu.vector_store %arg5[%swap3A], %broadcast_in_dim3A_1 {strides = array<i32>} : memref<10240xf32, #tpu.memory_space<vmem>>, vector<16xf32>,
    }
    %scan3A_6 = arith.constant 640 : i32
    %scan3A_7 = arith.constant 0 : i32
    %scan3A_8 = arith.constant 0 : i32
    %mul3A_9 = arith.constant 10000 : i32
    %mul3A_10 = arith.muli %add3A, %mul3A_9 : i32
    %mul3A_11 = arith.constant 10000 : i32
    %mul3A_12 = arith.muli %scan3A_8, %mul3A_11 : i32
    %add3A_13 = arith.addi %mul3A_10, %mul3A_12 : i32
    "tpu.region"() ({
      %run_scoped3A = tpu.sem_alloc : memref<!tpu.dma_semaphore, #tpu.memory_space<semaphore_mem>>
      %dma_start3A = tpu.memref_slice %arg2[%add3A_13] : memref<320000xi32, #tpu.memory_space<hbm>> -> memref<10000xi32, #tpu.memory_space<hbm>>
      %dma_start3A_20 = tpu.memref_slice %arg2[%add3A_13] : memref<320000xi32, #tpu.memory_space<hbm>> -> memref<10000xi32, #tpu.memory_space<hbm>>
      tpu.enqueue_dma source(%dma_start3A_20 : memref<10000xi32, #tpu.memory_space<hbm>>) target(%arg4 : memref<10000xi32, #tpu.memory_space<vmem>>) target_semaphore(%run_scoped3A : memref<!tpu.dma_semaphore, #tpu.memory_space<semaphore_mem>>)
      %dma_wait3A = tpu.memref_slice %arg2[%add3A_13] : memref<320000xi32, #tpu.memory_space<hbm>> -> memref<10000xi32, #tpu.memory_space<hbm>>
      %dma_wait3A_21 = tpu.memref_slice %arg2[%add3A_13] : memref<320000xi32, #tpu.memory_space<hbm>> -> memref<10000xi32, #tpu.memory_space<hbm>>
      tpu.wait_dma2 semaphore(%run_scoped3A : memref<!tpu.dma_semaphore, #tpu.memory_space<semaphore_mem>>) src(%dma_wait3A_21 : memref<10000xi32, #tpu.memory_space<hbm>>) dst(%arg4 : memref<10000xi32, #tpu.memory_space<vmem>>)
      tpu.yield
    }) : () -> ()
    %scan3A_14 = arith.constant 0 : i32
    %scan3A_15 = arith.constant 625 : i32
    %scan3A_16 = arith.addi %scan3A_14, %scan3A_15 : i32
    %scan3A_17 = arith.constant 1 : i32
    scf.for %scan3A_20 = %scan3A_14 to %scan3A_16 step %scan3A_17  : i32 {
      %mul3A_21 = arith.constant 16 : i32
      %mul3A_22 = arith.muli %scan3A_20, %mul3A_21 : i32
      %get3A = arith.index_cast %mul3A_22 : i32 to index
      %get3A_23 = tpu.vector_load %arg4[%get3A] {strides = array<i32>} : memref<10000xi32, #tpu.memory_space<vmem>>, vector<16xi32>,
      %broadcast_in_dim3A_24 = arith.constant true
      %broadcast_in_dim3A_25 = vector.broadcast %broadcast_in_dim3A_24 : i1 to vector<16xi1>
      %unique3A, %unique3A_26 = tpu.scan_count mask(%broadcast_in_dim3A_25 : vector<16xi1>) value(%get3A_23 : vector<16xi32>) : vector<16xi1>, vector<16xi32>
      %convert_element_type3A = arith.sitofp %unique3A_26 : vector<16xi32> to vector<16xf32>
      tpu.vector_store_idx %arg5[%get3A_23], %convert_element_type3A masked %unique3A {add = true} : memref<10240xf32, #tpu.memory_space<vmem>>[vector<16xi32>], vector<16xf32>, vector<16xi1>
    }
    %scan3A_18 = arith.constant 625 : i32
    %scan3A_19 = arith.constant 1 : i32
    "tpu.region"() ({
      %run_scoped3A = tpu.sem_alloc : memref<!tpu.dma_semaphore, #tpu.memory_space<semaphore_mem>>
      %dma_start3A = arith.constant 0 : i32
      %dma_start3A_20 = tpu.memref_slice %arg3[%add3A, %dma_start3A] : memref<32x10240xf32, #tpu.memory_space<hbm>> -> memref<1x10240xf32, #tpu.memory_space<hbm>>
      %dma_start3A_21 = tpu.memref_squeeze %dma_start3A_20 : memref<1x10240xf32, #tpu.memory_space<hbm>> -> memref<10240xf32, #tpu.memory_space<hbm>>
      %dma_start3A_22 = arith.constant 0 : i32
      %dma_start3A_23 = tpu.memref_slice %arg3[%add3A, %dma_start3A_22] : memref<32x10240xf32, #tpu.memory_space<hbm>> -> memref<1x10240xf32, #tpu.memory_space<hbm>>
      %dma_start3A_24 = tpu.memref_squeeze %dma_start3A_23 : memref<1x10240xf32, #tpu.memory_space<hbm>> -> memref<10240xf32, #tpu.memory_space<hbm>>
      tpu.enqueue_dma source(%arg5 : memref<10240xf32, #tpu.memory_space<vmem>>) target(%dma_start3A_24 : memref<10240xf32, #tpu.memory_space<hbm>>) target_semaphore(%run_scoped3A : memref<!tpu.dma_semaphore, #tpu.memory_space<semaphore_mem>>)
      %dma_wait3A = arith.constant 0 : i32
      %dma_wait3A_25 = tpu.memref_slice %arg3[%add3A, %dma_wait3A] : memref<32x10240xf32, #tpu.memory_space<hbm>> -> memref<1x10240xf32, #tpu.memory_space<hbm>>
      %dma_wait3A_26 = tpu.memref_squeeze %dma_wait3A_25 : memref<1x10240xf32, #tpu.memory_space<hbm>> -> memref<10240xf32, #tpu.memory_space<hbm>>
      %dma_wait3A_27 = arith.constant 0 : i32
      %dma_wait3A_28 = tpu.memref_slice %arg3[%add3A, %dma_wait3A_27] : memref<32x10240xf32, #tpu.memory_space<hbm>> -> memref<1x10240xf32, #tpu.memory_space<hbm>>
      %dma_wait3A_29 = tpu.memref_squeeze %dma_wait3A_28 : memref<1x10240xf32, #tpu.memory_space<hbm>> -> memref<10240xf32, #tpu.memory_space<hbm>>
      tpu.wait_dma2 semaphore(%run_scoped3A : memref<!tpu.dma_semaphore, #tpu.memory_space<semaphore_mem>>) src(%arg5 : memref<10240xf32, #tpu.memory_space<vmem>>) dst(%dma_wait3A_29 : memref<10240xf32, #tpu.memory_space<hbm>>)
      tpu.yield
    }) : () -> ()
    return
  }
}

#map = affine_map<(d0, d1) -> (0, 0)>
#map1 = affine_map<(d0, d1) -> (0)>
module attributes {stable_mosaic.version = 14 : i64} {
  func.func @k(%arg0: i32, %arg1: i32, %arg2: memref<10000x8xf32, #tpu.memory_space<hbm>>, %arg3: memref<320000xi32, #tpu.memory_space<hbm>>, %arg4: memref<320000xi32, #tpu.memory_space<hbm>>, %arg5: memref<640x8xf32, #tpu.memory_space<hbm>>, %arg6: memref<20480x8xf32, #tpu.memory_space<hbm>>, %arg7: memref<10000xi32, #tpu.memory_space<vmem>>, %arg8: memref<10000xi32, #tpu.memory_space<vmem>>, %arg9: memref<2000xi32, #tpu.memory_space<vmem>>, %arg10: memref<2000xi32, #tpu.memory_space<vmem>>, %arg11: memref<2000xi32, #tpu.memory_space<vmem>>, %arg12: memref<2000x8xf32, #tpu.memory_space<vmem>>, %arg13: memref<2000x8xf32, #tpu.memory_space<vmem>>, %arg14: memref<2000x8xf32, #tpu.memory_space<vmem>>, %arg15: memref<10240x8xf32, #tpu.memory_space<vmem_shared>>, %arg16: memref<!tpu.dma_semaphore, #tpu.memory_space<semaphore_mem>>, %arg17: memref<!tpu.dma_semaphore, #tpu.memory_space<semaphore_mem>>, %arg18: memref<!tpu.dma_semaphore, #tpu.memory_space<semaphore_mem>>, %arg19: memref<!tpu.dma_semaphore, #tpu.memory_space<semaphore_mem>>, %arg20: memref<!tpu.dma_semaphore, #tpu.memory_space<semaphore_mem>>, %arg21: memref<!tpu.dma_semaphore, #tpu.memory_space<semaphore_mem>>) attributes {dimension_semantics = [#tpu.dimension_semantics<core_parallel>, #tpu.dimension_semantics<subcore_parallel>], iteration_bounds = array<i64: 2, 16>, scalar_prefetch = 0 : i64, scratch_operands = 15 : i64, tpu.core_type = #tpu.core_type<sc_vector_subcore>, window_params = [{transform_indices = #map}, {transform_indices = #map1}, {transform_indices = #map1}, {transform_indices = #map}, {transform_indices = #map}]} {
    %mul3A = arith.constant 2 : i32
    %mul3A_0 = arith.muli %arg1, %mul3A : i32
    %add3A = arith.addi %mul3A_0, %arg0 : i32
    %mul3A_1 = arith.constant 10000 : i32
    %mul3A_2 = arith.muli %add3A, %mul3A_1 : i32
    %dma_start3A = tpu.memref_slice %arg3[%mul3A_2] : memref<320000xi32, #tpu.memory_space<hbm>> -> memref<10000xi32, #tpu.memory_space<hbm>>
    %dma_start3A_3 = tpu.memref_slice %arg3[%mul3A_2] : memref<320000xi32, #tpu.memory_space<hbm>> -> memref<10000xi32, #tpu.memory_space<hbm>>
    tpu.enqueue_dma source(%dma_start3A_3 : memref<10000xi32, #tpu.memory_space<hbm>>) target(%arg7 : memref<10000xi32, #tpu.memory_space<vmem>>) target_semaphore(%arg16 : memref<!tpu.dma_semaphore, #tpu.memory_space<semaphore_mem>>)
    %dma_start3A_4 = tpu.memref_slice %arg4[%mul3A_2] : memref<320000xi32, #tpu.memory_space<hbm>> -> memref<10000xi32, #tpu.memory_space<hbm>>
    %dma_start3A_5 = tpu.memref_slice %arg4[%mul3A_2] : memref<320000xi32, #tpu.memory_space<hbm>> -> memref<10000xi32, #tpu.memory_space<hbm>>
    tpu.enqueue_dma source(%dma_start3A_5 : memref<10000xi32, #tpu.memory_space<hbm>>) target(%arg8 : memref<10000xi32, #tpu.memory_space<vmem>>) target_semaphore(%arg17 : memref<!tpu.dma_semaphore, #tpu.memory_space<semaphore_mem>>)
    %mul3A_6 = arith.constant 640 : i32
    %mul3A_7 = arith.muli %arg1, %mul3A_6 : i32
    "tpu.region"() ({
      %run_scoped3A = tpu.sem_alloc : memref<!tpu.dma_semaphore, #tpu.memory_space<semaphore_mem>>
      %dma_start3A_133 = arith.constant 0 : i32
      %dma_start3A_134 = tpu.memref_slice %arg15[%mul3A_7, %dma_start3A_133] : memref<10240x8xf32, #tpu.memory_space<vmem_shared>> -> memref<640x8xf32, #tpu.memory_space<vmem_shared>>
      tpu.enqueue_dma source(%arg5 : memref<640x8xf32, #tpu.memory_space<hbm>>) target(%dma_start3A_134 : memref<640x8xf32, #tpu.memory_space<vmem_shared>>) target_semaphore(%run_scoped3A : memref<!tpu.dma_semaphore, #tpu.memory_space<semaphore_mem>>)
      %dma_wait3A_135 = arith.constant 0 : i32
      %dma_wait3A_136 = tpu.memref_slice %arg15[%mul3A_7, %dma_wait3A_135] : memref<10240x8xf32, #tpu.memory_space<vmem_shared>> -> memref<640x8xf32, #tpu.memory_space<vmem_shared>>
      tpu.wait_dma2 semaphore(%run_scoped3A : memref<!tpu.dma_semaphore, #tpu.memory_space<semaphore_mem>>) src(%arg5 : memref<640x8xf32, #tpu.memory_space<hbm>>) dst(%dma_wait3A_136 : memref<640x8xf32, #tpu.memory_space<vmem_shared>>)
      tpu.yield
    }) : () -> ()
    %dma_wait3A = tpu.memref_slice %arg3[%mul3A_2] : memref<320000xi32, #tpu.memory_space<hbm>> -> memref<10000xi32, #tpu.memory_space<hbm>>
    %dma_wait3A_8 = tpu.memref_slice %arg3[%mul3A_2] : memref<320000xi32, #tpu.memory_space<hbm>> -> memref<10000xi32, #tpu.memory_space<hbm>>
    tpu.wait_dma2 semaphore(%arg16 : memref<!tpu.dma_semaphore, #tpu.memory_space<semaphore_mem>>) src(%dma_wait3A_8 : memref<10000xi32, #tpu.memory_space<hbm>>) dst(%arg7 : memref<10000xi32, #tpu.memory_space<vmem>>)
    %dma_wait3A_9 = tpu.memref_slice %arg4[%mul3A_2] : memref<320000xi32, #tpu.memory_space<hbm>> -> memref<10000xi32, #tpu.memory_space<hbm>>
    %dma_wait3A_10 = tpu.memref_slice %arg4[%mul3A_2] : memref<320000xi32, #tpu.memory_space<hbm>> -> memref<10000xi32, #tpu.memory_space<hbm>>
    tpu.wait_dma2 semaphore(%arg17 : memref<!tpu.dma_semaphore, #tpu.memory_space<semaphore_mem>>) src(%dma_wait3A_10 : memref<10000xi32, #tpu.memory_space<hbm>>) dst(%arg8 : memref<10000xi32, #tpu.memory_space<vmem>>)
    %barrier3A = arith.constant 0 : index
    tpu.barrier barrier_id(%barrier3A)
    %dma_start3A_11 = arith.constant 0 : i32
    %dma_start3A_12 = tpu.memref_slice %arg7[%dma_start3A_11] : memref<10000xi32, #tpu.memory_space<vmem>> -> memref<2000xi32, #tpu.memory_space<vmem>>
    %dma_start3A_13 = arith.constant 0 : i32
    %dma_start3A_14 = arith.constant 0 : i32
    %dma_start3A_15 = tpu.memref_slice %arg2[%dma_start3A_13, %dma_start3A_14] : memref<10000x8xf32, #tpu.memory_space<hbm>> -> memref<10000x8xf32, #tpu.memory_space<hbm>>
    tpu.enqueue_indirect_dma source(%dma_start3A_15 : memref<10000x8xf32, #tpu.memory_space<hbm>>) target(%arg12 : memref<2000x8xf32, #tpu.memory_space<vmem>>) offsets(%dma_start3A_12 : memref<2000xi32, #tpu.memory_space<vmem>>) semaphore(%arg16 : memref<!tpu.dma_semaphore, #tpu.memory_space<semaphore_mem>>)
    %scan3A = arith.constant 0 : i32
    %scan3A_16 = arith.constant 0 : i32
    %scan3A_17 = arith.constant 125 : i32
    %scan3A_18 = arith.addi %scan3A_16, %scan3A_17 : i32
    %scan3A_19 = arith.constant 1 : i32
    scf.for %scan3A_133 = %scan3A_16 to %scan3A_18 step %scan3A_19  : i32 {
      %mul3A_134 = arith.constant 16 : i32
      %mul3A_135 = arith.muli %scan3A_133, %mul3A_134 : i32
      %add3A_136 = arith.constant 0 : i32
      %add3A_137 = arith.addi %add3A_136, %mul3A_135 : i32
      %get3A = arith.index_cast %add3A_137 : i32 to index
      %get3A_138 = tpu.vector_load %arg8[%get3A] {strides = array<i32>} : memref<10000xi32, #tpu.memory_space<vmem>>, vector<16xi32>,
      %mul3A_139 = arith.constant 16 : i32
      %mul3A_140 = arith.muli %scan3A_133, %mul3A_139 : i32
      %swap3A = arith.index_cast %mul3A_140 : i32 to index
      %swap3A_141 = tpu.vector_load %arg9[%swap3A] {strides = array<i32>} : memref<2000xi32, #tpu.memory_space<vmem>>, vector<16xi32>,
      %swap3A_142 = vector.shape_cast %swap3A_141 : vector<16xi32> to vector<16xi32>
      %swap3A_143 = vector.shape_cast %get3A_138 : vector<16xi32> to vector<16xi32>
      tpu.vector_store %arg9[%swap3A], %swap3A_143 {strides = array<i32>} : memref<2000xi32, #tpu.memory_space<vmem>>, vector<16xi32>,
    }
    %scan3A_20 = arith.constant 125 : i32
    %dma_start3A_21 = arith.constant 2000 : i32
    %dma_start3A_22 = tpu.memref_slice %arg7[%dma_start3A_21] : memref<10000xi32, #tpu.memory_space<vmem>> -> memref<2000xi32, #tpu.memory_space<vmem>>
    %dma_start3A_23 = arith.constant 0 : i32
    %dma_start3A_24 = arith.constant 0 : i32
    %dma_start3A_25 = tpu.memref_slice %arg2[%dma_start3A_23, %dma_start3A_24] : memref<10000x8xf32, #tpu.memory_space<hbm>> -> memref<10000x8xf32, #tpu.memory_space<hbm>>
    tpu.enqueue_indirect_dma source(%dma_start3A_25 : memref<10000x8xf32, #tpu.memory_space<hbm>>) target(%arg13 : memref<2000x8xf32, #tpu.memory_space<vmem>>) offsets(%dma_start3A_22 : memref<2000xi32, #tpu.memory_space<vmem>>) semaphore(%arg17 : memref<!tpu.dma_semaphore, #tpu.memory_space<semaphore_mem>>)
    %scan3A_26 = arith.constant 0 : i32
    %scan3A_27 = arith.constant 0 : i32
    %scan3A_28 = arith.constant 125 : i32
    %scan3A_29 = arith.addi %scan3A_27, %scan3A_28 : i32
    %scan3A_30 = arith.constant 1 : i32
    scf.for %scan3A_133 = %scan3A_27 to %scan3A_29 step %scan3A_30  : i32 {
      %mul3A_134 = arith.constant 16 : i32
      %mul3A_135 = arith.muli %scan3A_133, %mul3A_134 : i32
      %add3A_136 = arith.constant 2000 : i32
      %add3A_137 = arith.addi %add3A_136, %mul3A_135 : i32
      %get3A = arith.index_cast %add3A_137 : i32 to index
      %get3A_138 = tpu.vector_load %arg8[%get3A] {strides = array<i32>} : memref<10000xi32, #tpu.memory_space<vmem>>, vector<16xi32>,
      %mul3A_139 = arith.constant 16 : i32
      %mul3A_140 = arith.muli %scan3A_133, %mul3A_139 : i32
      %swap3A = arith.index_cast %mul3A_140 : i32 to index
      %swap3A_141 = tpu.vector_load %arg10[%swap3A] {strides = array<i32>} : memref<2000xi32, #tpu.memory_space<vmem>>, vector<16xi32>,
      %swap3A_142 = vector.shape_cast %swap3A_141 : vector<16xi32> to vector<16xi32>
      %swap3A_143 = vector.shape_cast %get3A_138 : vector<16xi32> to vector<16xi32>
      tpu.vector_store %arg10[%swap3A], %swap3A_143 {strides = array<i32>} : memref<2000xi32, #tpu.memory_space<vmem>>, vector<16xi32>,
    }
    %scan3A_31 = arith.constant 125 : i32
    %dma_start3A_32 = arith.constant 4000 : i32
    %dma_start3A_33 = tpu.memref_slice %arg7[%dma_start3A_32] : memref<10000xi32, #tpu.memory_space<vmem>> -> memref<2000xi32, #tpu.memory_space<vmem>>
    %dma_start3A_34 = arith.constant 0 : i32
    %dma_start3A_35 = arith.constant 0 : i32
    %dma_start3A_36 = tpu.memref_slice %arg2[%dma_start3A_34, %dma_start3A_35] : memref<10000x8xf32, #tpu.memory_space<hbm>> -> memref<10000x8xf32, #tpu.memory_space<hbm>>
    tpu.enqueue_indirect_dma source(%dma_start3A_36 : memref<10000x8xf32, #tpu.memory_space<hbm>>) target(%arg14 : memref<2000x8xf32, #tpu.memory_space<vmem>>) offsets(%dma_start3A_33 : memref<2000xi32, #tpu.memory_space<vmem>>) semaphore(%arg18 : memref<!tpu.dma_semaphore, #tpu.memory_space<semaphore_mem>>)
    %scan3A_37 = arith.constant 0 : i32
    %scan3A_38 = arith.constant 0 : i32
    %scan3A_39 = arith.constant 125 : i32
    %scan3A_40 = arith.addi %scan3A_38, %scan3A_39 : i32
    %scan3A_41 = arith.constant 1 : i32
    scf.for %scan3A_133 = %scan3A_38 to %scan3A_40 step %scan3A_41  : i32 {
      %mul3A_134 = arith.constant 16 : i32
      %mul3A_135 = arith.muli %scan3A_133, %mul3A_134 : i32
      %add3A_136 = arith.constant 4000 : i32
      %add3A_137 = arith.addi %add3A_136, %mul3A_135 : i32
      %get3A = arith.index_cast %add3A_137 : i32 to index
      %get3A_138 = tpu.vector_load %arg8[%get3A] {strides = array<i32>} : memref<10000xi32, #tpu.memory_space<vmem>>, vector<16xi32>,
      %mul3A_139 = arith.constant 16 : i32
      %mul3A_140 = arith.muli %scan3A_133, %mul3A_139 : i32
      %swap3A = arith.index_cast %mul3A_140 : i32 to index
      %swap3A_141 = tpu.vector_load %arg11[%swap3A] {strides = array<i32>} : memref<2000xi32, #tpu.memory_space<vmem>>, vector<16xi32>,
      %swap3A_142 = vector.shape_cast %swap3A_141 : vector<16xi32> to vector<16xi32>
      %swap3A_143 = vector.shape_cast %get3A_138 : vector<16xi32> to vector<16xi32>
      tpu.vector_store %arg11[%swap3A], %swap3A_143 {strides = array<i32>} : memref<2000xi32, #tpu.memory_space<vmem>>, vector<16xi32>,
    }
    %scan3A_42 = arith.constant 125 : i32
    %dma_wait3A_43 = arith.constant 0 : i32
    %dma_wait3A_44 = tpu.memref_slice %arg7[%dma_wait3A_43] : memref<10000xi32, #tpu.memory_space<vmem>> -> memref<2000xi32, #tpu.memory_space<vmem>>
    %dma_wait3A_45 = arith.constant 0 : i32
    %dma_wait3A_46 = arith.constant 0 : i32
    %dma_wait3A_47 = tpu.memref_slice %arg2[%dma_wait3A_45, %dma_wait3A_46] : memref<10000x8xf32, #tpu.memory_space<hbm>> -> memref<10000x8xf32, #tpu.memory_space<hbm>>
    tpu.wait_indirect_dma semaphore(%arg16 : memref<!tpu.dma_semaphore, #tpu.memory_space<semaphore_mem>>) src(%dma_wait3A_47 : memref<10000x8xf32, #tpu.memory_space<hbm>>) dst(%arg12 : memref<2000x8xf32, #tpu.memory_space<vmem>>)
    %dma_start3A_48 = arith.constant 0 : i32
    %dma_start3A_49 = arith.constant 0 : i32
    %dma_start3A_50 = tpu.memref_slice %arg15[%dma_start3A_48, %dma_start3A_49] : memref<10240x8xf32, #tpu.memory_space<vmem_shared>> -> memref<10240x8xf32, #tpu.memory_space<vmem_shared>>
    tpu.enqueue_indirect_dma source(%arg12 : memref<2000x8xf32, #tpu.memory_space<vmem>>) target(%dma_start3A_50 : memref<10240x8xf32, #tpu.memory_space<vmem_shared>>) offsets(%arg9 : memref<2000xi32, #tpu.memory_space<vmem>>) semaphore(%arg19 : memref<!tpu.dma_semaphore, #tpu.memory_space<semaphore_mem>>) {add = true}
    %dma_wait3A_51 = arith.constant 0 : i32
    %dma_wait3A_52 = arith.constant 0 : i32
    %dma_wait3A_53 = tpu.memref_slice %arg15[%dma_wait3A_51, %dma_wait3A_52] : memref<10240x8xf32, #tpu.memory_space<vmem_shared>> -> memref<10240x8xf32, #tpu.memory_space<vmem_shared>>
    tpu.wait_indirect_dma semaphore(%arg19 : memref<!tpu.dma_semaphore, #tpu.memory_space<semaphore_mem>>) src(%arg12 : memref<2000x8xf32, #tpu.memory_space<vmem>>) dst(%dma_wait3A_53 : memref<10240x8xf32, #tpu.memory_space<vmem_shared>>)
    %dma_start3A_54 = arith.constant 6000 : i32
    %dma_start3A_55 = tpu.memref_slice %arg7[%dma_start3A_54] : memref<10000xi32, #tpu.memory_space<vmem>> -> memref<2000xi32, #tpu.memory_space<vmem>>
    %dma_start3A_56 = arith.constant 0 : i32
    %dma_start3A_57 = arith.constant 0 : i32
    %dma_start3A_58 = tpu.memref_slice %arg2[%dma_start3A_56, %dma_start3A_57] : memref<10000x8xf32, #tpu.memory_space<hbm>> -> memref<10000x8xf32, #tpu.memory_space<hbm>>
    tpu.enqueue_indirect_dma source(%dma_start3A_58 : memref<10000x8xf32, #tpu.memory_space<hbm>>) target(%arg12 : memref<2000x8xf32, #tpu.memory_space<vmem>>) offsets(%dma_start3A_55 : memref<2000xi32, #tpu.memory_space<vmem>>) semaphore(%arg16 : memref<!tpu.dma_semaphore, #tpu.memory_space<semaphore_mem>>)
    %scan3A_59 = arith.constant 0 : i32
    %scan3A_60 = arith.constant 0 : i32
    %scan3A_61 = arith.constant 125 : i32
    %scan3A_62 = arith.addi %scan3A_60, %scan3A_61 : i32
    %scan3A_63 = arith.constant 1 : i32
    scf.for %scan3A_133 = %scan3A_60 to %scan3A_62 step %scan3A_63  : i32 {
      %mul3A_134 = arith.constant 16 : i32
      %mul3A_135 = arith.muli %scan3A_133, %mul3A_134 : i32
      %add3A_136 = arith.constant 6000 : i32
      %add3A_137 = arith.addi %add3A_136, %mul3A_135 : i32
      %get3A = arith.index_cast %add3A_137 : i32 to index
      %get3A_138 = tpu.vector_load %arg8[%get3A] {strides = array<i32>} : memref<10000xi32, #tpu.memory_space<vmem>>, vector<16xi32>,
      %mul3A_139 = arith.constant 16 : i32
      %mul3A_140 = arith.muli %scan3A_133, %mul3A_139 : i32
      %swap3A = arith.index_cast %mul3A_140 : i32 to index
      %swap3A_141 = tpu.vector_load %arg9[%swap3A] {strides = array<i32>} : memref<2000xi32, #tpu.memory_space<vmem>>, vector<16xi32>,
      %swap3A_142 = vector.shape_cast %swap3A_141 : vector<16xi32> to vector<16xi32>
      %swap3A_143 = vector.shape_cast %get3A_138 : vector<16xi32> to vector<16xi32>
      tpu.vector_store %arg9[%swap3A], %swap3A_143 {strides = array<i32>} : memref<2000xi32, #tpu.memory_space<vmem>>, vector<16xi32>,
    }
    %scan3A_64 = arith.constant 125 : i32
    %dma_wait3A_65 = arith.constant 2000 : i32
    %dma_wait3A_66 = tpu.memref_slice %arg7[%dma_wait3A_65] : memref<10000xi32, #tpu.memory_space<vmem>> -> memref<2000xi32, #tpu.memory_space<vmem>>
    %dma_wait3A_67 = arith.constant 0 : i32
    %dma_wait3A_68 = arith.constant 0 : i32
    %dma_wait3A_69 = tpu.memref_slice %arg2[%dma_wait3A_67, %dma_wait3A_68] : memref<10000x8xf32, #tpu.memory_space<hbm>> -> memref<10000x8xf32, #tpu.memory_space<hbm>>
    tpu.wait_indirect_dma semaphore(%arg17 : memref<!tpu.dma_semaphore, #tpu.memory_space<semaphore_mem>>) src(%dma_wait3A_69 : memref<10000x8xf32, #tpu.memory_space<hbm>>) dst(%arg13 : memref<2000x8xf32, #tpu.memory_space<vmem>>)
    %dma_start3A_70 = arith.constant 0 : i32
    %dma_start3A_71 = arith.constant 0 : i32
    %dma_start3A_72 = tpu.memref_slice %arg15[%dma_start3A_70, %dma_start3A_71] : memref<10240x8xf32, #tpu.memory_space<vmem_shared>> -> memref<10240x8xf32, #tpu.memory_space<vmem_shared>>
    tpu.enqueue_indirect_dma source(%arg13 : memref<2000x8xf32, #tpu.memory_space<vmem>>) target(%dma_start3A_72 : memref<10240x8xf32, #tpu.memory_space<vmem_shared>>) offsets(%arg10 : memref<2000xi32, #tpu.memory_space<vmem>>) semaphore(%arg20 : memref<!tpu.dma_semaphore, #tpu.memory_space<semaphore_mem>>) {add = true}
    %dma_wait3A_73 = arith.constant 0 : i32
    %dma_wait3A_74 = arith.constant 0 : i32
    %dma_wait3A_75 = tpu.memref_slice %arg15[%dma_wait3A_73, %dma_wait3A_74] : memref<10240x8xf32, #tpu.memory_space<vmem_shared>> -> memref<10240x8xf32, #tpu.memory_space<vmem_shared>>
    tpu.wait_indirect_dma semaphore(%arg20 : memref<!tpu.dma_semaphore, #tpu.memory_space<semaphore_mem>>) src(%arg13 : memref<2000x8xf32, #tpu.memory_space<vmem>>) dst(%dma_wait3A_75 : memref<10240x8xf32, #tpu.memory_space<vmem_shared>>)
    %dma_start3A_76 = arith.constant 8000 : i32
    %dma_start3A_77 = tpu.memref_slice %arg7[%dma_start3A_76] : memref<10000xi32, #tpu.memory_space<vmem>> -> memref<2000xi32, #tpu.memory_space<vmem>>
    %dma_start3A_78 = arith.constant 0 : i32
    %dma_start3A_79 = arith.constant 0 : i32
    %dma_start3A_80 = tpu.memref_slice %arg2[%dma_start3A_78, %dma_start3A_79] : memref<10000x8xf32, #tpu.memory_space<hbm>> -> memref<10000x8xf32, #tpu.memory_space<hbm>>
    tpu.enqueue_indirect_dma source(%dma_start3A_80 : memref<10000x8xf32, #tpu.memory_space<hbm>>) target(%arg13 : memref<2000x8xf32, #tpu.memory_space<vmem>>) offsets(%dma_start3A_77 : memref<2000xi32, #tpu.memory_space<vmem>>) semaphore(%arg17 : memref<!tpu.dma_semaphore, #tpu.memory_space<semaphore_mem>>)
    %scan3A_81 = arith.constant 0 : i32
    %scan3A_82 = arith.constant 0 : i32
    %scan3A_83 = arith.constant 125 : i32
    %scan3A_84 = arith.addi %scan3A_82, %scan3A_83 : i32
    %scan3A_85 = arith.constant 1 : i32
    scf.for %scan3A_133 = %scan3A_82 to %scan3A_84 step %scan3A_85  : i32 {
      %mul3A_134 = arith.constant 16 : i32
      %mul3A_135 = arith.muli %scan3A_133, %mul3A_134 : i32
      %add3A_136 = arith.constant 8000 : i32
      %add3A_137 = arith.addi %add3A_136, %mul3A_135 : i32
      %get3A = arith.index_cast %add3A_137 : i32 to index
      %get3A_138 = tpu.vector_load %arg8[%get3A] {strides = array<i32>} : memref<10000xi32, #tpu.memory_space<vmem>>, vector<16xi32>,
      %mul3A_139 = arith.constant 16 : i32
      %mul3A_140 = arith.muli %scan3A_133, %mul3A_139 : i32
      %swap3A = arith.index_cast %mul3A_140 : i32 to index
      %swap3A_141 = tpu.vector_load %arg10[%swap3A] {strides = array<i32>} : memref<2000xi32, #tpu.memory_space<vmem>>, vector<16xi32>,
      %swap3A_142 = vector.shape_cast %swap3A_141 : vector<16xi32> to vector<16xi32>
      %swap3A_143 = vector.shape_cast %get3A_138 : vector<16xi32> to vector<16xi32>
      tpu.vector_store %arg10[%swap3A], %swap3A_143 {strides = array<i32>} : memref<2000xi32, #tpu.memory_space<vmem>>, vector<16xi32>,
    }
    %scan3A_86 = arith.constant 125 : i32
    %dma_wait3A_87 = arith.constant 4000 : i32
    %dma_wait3A_88 = tpu.memref_slice %arg7[%dma_wait3A_87] : memref<10000xi32, #tpu.memory_space<vmem>> -> memref<2000xi32, #tpu.memory_space<vmem>>
    %dma_wait3A_89 = arith.constant 0 : i32
    %dma_wait3A_90 = arith.constant 0 : i32
    %dma_wait3A_91 = tpu.memref_slice %arg2[%dma_wait3A_89, %dma_wait3A_90] : memref<10000x8xf32, #tpu.memory_space<hbm>> -> memref<10000x8xf32, #tpu.memory_space<hbm>>
    tpu.wait_indirect_dma semaphore(%arg18 : memref<!tpu.dma_semaphore, #tpu.memory_space<semaphore_mem>>) src(%dma_wait3A_91 : memref<10000x8xf32, #tpu.memory_space<hbm>>) dst(%arg14 : memref<2000x8xf32, #tpu.memory_space<vmem>>)
    %dma_start3A_92 = arith.constant 0 : i32
    %dma_start3A_93 = arith.constant 0 : i32
    %dma_start3A_94 = tpu.memref_slice %arg15[%dma_start3A_92, %dma_start3A_93] : memref<10240x8xf32, #tpu.memory_space<vmem_shared>> -> memref<10240x8xf32, #tpu.memory_space<vmem_shared>>
    tpu.enqueue_indirect_dma source(%arg14 : memref<2000x8xf32, #tpu.memory_space<vmem>>) target(%dma_start3A_94 : memref<10240x8xf32, #tpu.memory_space<vmem_shared>>) offsets(%arg11 : memref<2000xi32, #tpu.memory_space<vmem>>) semaphore(%arg21 : memref<!tpu.dma_semaphore, #tpu.memory_space<semaphore_mem>>) {add = true}
    %scan3A_95 = arith.constant 0 : i32
    %scan3A_96 = arith.constant 0 : i32
    %scan3A_97 = arith.constant 0 : i32
    %scan3A_98 = arith.addi %scan3A_96, %scan3A_97 : i32
    %scan3A_99 = arith.constant 0 : i32
    %dma_wait3A_100 = arith.constant 6000 : i32
    %dma_wait3A_101 = tpu.memref_slice %arg7[%dma_wait3A_100] : memref<10000xi32, #tpu.memory_space<vmem>> -> memref<2000xi32, #tpu.memory_space<vmem>>
    %dma_wait3A_102 = arith.constant 0 : i32
    %dma_wait3A_103 = arith.constant 0 : i32
    %dma_wait3A_104 = tpu.memref_slice %arg2[%dma_wait3A_102, %dma_wait3A_103] : memref<10000x8xf32, #tpu.memory_space<hbm>> -> memref<10000x8xf32, #tpu.memory_space<hbm>>
    tpu.wait_indirect_dma semaphore(%arg16 : memref<!tpu.dma_semaphore, #tpu.memory_space<semaphore_mem>>) src(%dma_wait3A_104 : memref<10000x8xf32, #tpu.memory_space<hbm>>) dst(%arg12 : memref<2000x8xf32, #tpu.memory_space<vmem>>)
    %dma_start3A_105 = arith.constant 0 : i32
    %dma_start3A_106 = arith.constant 0 : i32
    %dma_start3A_107 = tpu.memref_slice %arg15[%dma_start3A_105, %dma_start3A_106] : memref<10240x8xf32, #tpu.memory_space<vmem_shared>> -> memref<10240x8xf32, #tpu.memory_space<vmem_shared>>
    tpu.enqueue_indirect_dma source(%arg12 : memref<2000x8xf32, #tpu.memory_space<vmem>>) target(%dma_start3A_107 : memref<10240x8xf32, #tpu.memory_space<vmem_shared>>) offsets(%arg9 : memref<2000xi32, #tpu.memory_space<vmem>>) semaphore(%arg19 : memref<!tpu.dma_semaphore, #tpu.memory_space<semaphore_mem>>) {add = true}
    %dma_wait3A_108 = arith.constant 8000 : i32
    %dma_wait3A_109 = tpu.memref_slice %arg7[%dma_wait3A_108] : memref<10000xi32, #tpu.memory_space<vmem>> -> memref<2000xi32, #tpu.memory_space<vmem>>
    %dma_wait3A_110 = arith.constant 0 : i32
    %dma_wait3A_111 = arith.constant 0 : i32
    %dma_wait3A_112 = tpu.memref_slice %arg2[%dma_wait3A_110, %dma_wait3A_111] : memref<10000x8xf32, #tpu.memory_space<hbm>> -> memref<10000x8xf32, #tpu.memory_space<hbm>>
    tpu.wait_indirect_dma semaphore(%arg17 : memref<!tpu.dma_semaphore, #tpu.memory_space<semaphore_mem>>) src(%dma_wait3A_112 : memref<10000x8xf32, #tpu.memory_space<hbm>>) dst(%arg13 : memref<2000x8xf32, #tpu.memory_space<vmem>>)
    %dma_start3A_113 = arith.constant 0 : i32
    %dma_start3A_114 = arith.constant 0 : i32
    %dma_start3A_115 = tpu.memref_slice %arg15[%dma_start3A_113, %dma_start3A_114] : memref<10240x8xf32, #tpu.memory_space<vmem_shared>> -> memref<10240x8xf32, #tpu.memory_space<vmem_shared>>
    tpu.enqueue_indirect_dma source(%arg13 : memref<2000x8xf32, #tpu.memory_space<vmem>>) target(%dma_start3A_115 : memref<10240x8xf32, #tpu.memory_space<vmem_shared>>) offsets(%arg10 : memref<2000xi32, #tpu.memory_space<vmem>>) semaphore(%arg20 : memref<!tpu.dma_semaphore, #tpu.memory_space<semaphore_mem>>) {add = true}
    %dma_wait3A_116 = arith.constant 0 : i32
    %dma_wait3A_117 = arith.constant 0 : i32
    %dma_wait3A_118 = tpu.memref_slice %arg15[%dma_wait3A_116, %dma_wait3A_117] : memref<10240x8xf32, #tpu.memory_space<vmem_shared>> -> memref<10240x8xf32, #tpu.memory_space<vmem_shared>>
    tpu.wait_indirect_dma semaphore(%arg19 : memref<!tpu.dma_semaphore, #tpu.memory_space<semaphore_mem>>) src(%arg12 : memref<2000x8xf32, #tpu.memory_space<vmem>>) dst(%dma_wait3A_118 : memref<10240x8xf32, #tpu.memory_space<vmem_shared>>)
    %dma_wait3A_119 = arith.constant 0 : i32
    %dma_wait3A_120 = arith.constant 0 : i32
    %dma_wait3A_121 = tpu.memref_slice %arg15[%dma_wait3A_119, %dma_wait3A_120] : memref<10240x8xf32, #tpu.memory_space<vmem_shared>> -> memref<10240x8xf32, #tpu.memory_space<vmem_shared>>
    tpu.wait_indirect_dma semaphore(%arg20 : memref<!tpu.dma_semaphore, #tpu.memory_space<semaphore_mem>>) src(%arg13 : memref<2000x8xf32, #tpu.memory_space<vmem>>) dst(%dma_wait3A_121 : memref<10240x8xf32, #tpu.memory_space<vmem_shared>>)
    %dma_wait3A_122 = arith.constant 0 : i32
    %dma_wait3A_123 = arith.constant 0 : i32
    %dma_wait3A_124 = tpu.memref_slice %arg15[%dma_wait3A_122, %dma_wait3A_123] : memref<10240x8xf32, #tpu.memory_space<vmem_shared>> -> memref<10240x8xf32, #tpu.memory_space<vmem_shared>>
    tpu.wait_indirect_dma semaphore(%arg21 : memref<!tpu.dma_semaphore, #tpu.memory_space<semaphore_mem>>) src(%arg14 : memref<2000x8xf32, #tpu.memory_space<vmem>>) dst(%dma_wait3A_124 : memref<10240x8xf32, #tpu.memory_space<vmem_shared>>)
    %barrier3A_125 = arith.constant 0 : index
    tpu.barrier barrier_id(%barrier3A_125)
    %mul3A_126 = arith.constant 640 : i32
    %mul3A_127 = arith.muli %arg1, %mul3A_126 : i32
    %mul3A_128 = arith.constant 10240 : i32
    %mul3A_129 = arith.muli %arg0, %mul3A_128 : i32
    %mul3A_130 = arith.constant 640 : i32
    %mul3A_131 = arith.muli %arg1, %mul3A_130 : i32
    %add3A_132 = arith.addi %mul3A_129, %mul3A_131 : i32
    "tpu.region"() ({
      %run_scoped3A = tpu.sem_alloc : memref<!tpu.dma_semaphore, #tpu.memory_space<semaphore_mem>>
      %dma_start3A_133 = arith.constant 0 : i32
      %dma_start3A_134 = tpu.memref_slice %arg6[%add3A_132, %dma_start3A_133] : memref<20480x8xf32, #tpu.memory_space<hbm>> -> memref<640x8xf32, #tpu.memory_space<hbm>>
      %dma_start3A_135 = arith.constant 0 : i32
      %dma_start3A_136 = tpu.memref_slice %arg15[%mul3A_127, %dma_start3A_135] : memref<10240x8xf32, #tpu.memory_space<vmem_shared>> -> memref<640x8xf32, #tpu.memory_space<vmem_shared>>
      tpu.enqueue_dma source(%dma_start3A_136 : memref<640x8xf32, #tpu.memory_space<vmem_shared>>) target(%dma_start3A_134 : memref<640x8xf32, #tpu.memory_space<hbm>>) target_semaphore(%run_scoped3A : memref<!tpu.dma_semaphore, #tpu.memory_space<semaphore_mem>>)
      %dma_wait3A_137 = arith.constant 0 : i32
      %dma_wait3A_138 = tpu.memref_slice %arg6[%add3A_132, %dma_wait3A_137] : memref<20480x8xf32, #tpu.memory_space<hbm>> -> memref<640x8xf32, #tpu.memory_space<hbm>>
      %dma_wait3A_139 = arith.constant 0 : i32
      %dma_wait3A_140 = tpu.memref_slice %arg15[%mul3A_127, %dma_wait3A_139] : memref<10240x8xf32, #tpu.memory_space<vmem_shared>> -> memref<640x8xf32, #tpu.memory_space<vmem_shared>>
      tpu.wait_dma2 semaphore(%run_scoped3A : memref<!tpu.dma_semaphore, #tpu.memory_space<semaphore_mem>>) src(%dma_wait3A_140 : memref<640x8xf32, #tpu.memory_space<vmem_shared>>) dst(%dma_wait3A_138 : memref<640x8xf32, #tpu.memory_space<hbm>>)
      tpu.yield
    }) : () -> ()
    return
  }
}

module attributes {stable_mosaic.version = 14 : i64} {
  func.func @_tc1_body(%arg0: memref<32x10240xf32, #tpu.memory_space<vmem>>, %arg1: memref<10000x128xf32, #tpu.memory_space<vmem>>, %arg2: memref<128x128xf32, #tpu.memory_space<vmem>>, %arg3: memref<10000x128xf32, #tpu.memory_space<vmem>>) attributes {dimension_semantics = [], scalar_prefetch = 0 : i64, scratch_operands = 0 : i64, tpu.core_type = #tpu.core_type<tc>} {
    %broadcast_in_dim3A = arith.constant 1.000000e+00 : f32
    %broadcast_in_dim3A_0 = vector.broadcast %broadcast_in_dim3A : f32 to vector<32x1xf32>
    %get3A = arith.constant 0 : index
    %get3A_1 = arith.constant 0 : index
    %get3A_2 = vector.load %arg0[%get3A, %get3A_1] : memref<32x10240xf32, #tpu.memory_space<vmem>>, vector<32x10240xf32>
    %dot_general3A = arith.constant dense<0.000000e+00> : vector<10240x1xf32>
    %dot_general3A_3 = tpu.matmul %get3A_2, %broadcast_in_dim3A_0, %dot_general3A {dimension_numbers = #tpu.dot_dimension_numbers<[0], [0], [1], [1], [0, 1, 1, 1], [], []>, transpose_lhs_hint = false} : vector<32x10240xf32>, vector<32x1xf32>, vector<10240x1xf32> -> vector<10240x1xf32>
    %slice3A = vector.extract_strided_slice %dot_general3A_3 {offsets = [0, 0], sizes = [10000, 1], strides = [1, 1]} : vector<10240x1xf32> to vector<10000x1xf32>
    %add3A = arith.constant 1.000000e+00 : f32
    %add3A_4 = vector.broadcast %add3A : f32 to vector<10000x1xf32>
    %add3A_5 = arith.addf %slice3A, %add3A_4 : vector<10000x1xf32>
    %rsqrt3A = math.rsqrt %add3A_5 : vector<10000x1xf32>
    %get3A_6 = arith.constant 0 : index
    %get3A_7 = arith.constant 0 : index
    %get3A_8 = vector.load %arg1[%get3A_6, %get3A_7] : memref<10000x128xf32, #tpu.memory_space<vmem>>, vector<10000x128xf32>
    %get3A_9 = arith.constant 0 : index
    %get3A_10 = arith.constant 0 : index
    %get3A_11 = vector.load %arg2[%get3A_9, %get3A_10] : memref<128x128xf32, #tpu.memory_space<vmem>>, vector<128x128xf32>
    %dot_general3A_12 = arith.constant dense<0.000000e+00> : vector<10000x128xf32>
    %dot_general3A_13 = tpu.matmul %get3A_8, %get3A_11, %dot_general3A_12 {dimension_numbers = #tpu.dot_dimension_numbers<[1], [0], [0], [1], [0, 0, 1, 1], [], []>, transpose_lhs_hint = false} : vector<10000x128xf32>, vector<128x128xf32>, vector<10000x128xf32> -> vector<10000x128xf32>
    %mul3A = vector.broadcast %rsqrt3A : vector<10000x1xf32> to vector<10000x128xf32>
    %mul3A_14 = arith.mulf %dot_general3A_13, %mul3A : vector<10000x128xf32>
    %swap3A = arith.constant 0 : index
    %swap3A_15 = arith.constant 0 : index
    %swap3A_16 = vector.load %arg3[%swap3A, %swap3A_15] : memref<10000x128xf32, #tpu.memory_space<vmem>>, vector<10000x128xf32>
    tpu.vector_store %arg3[%swap3A, %swap3A_15], %mul3A_14 {strides = array<i32>} : memref<10000x128xf32, #tpu.memory_space<vmem>>, vector<10000x128xf32>,
    return
  }
}

module attributes {stable_mosaic.version = 14 : i64} {
  func.func @_tc2_body(%arg0: memref<32x10240xf32, #tpu.memory_space<vmem>>, %arg1: memref<20480x128xf32, #tpu.memory_space<vmem>>, %arg2: memref<10000x128xf32, #tpu.memory_space<vmem>>, %arg3: memref<1x128xf32, #tpu.memory_space<vmem>>, %arg4: memref<128x8xf32, #tpu.memory_space<vmem>>, %arg5: memref<10000x8xf32, #tpu.memory_space<vmem>>) attributes {dimension_semantics = [], scalar_prefetch = 0 : i64, scratch_operands = 0 : i64, tpu.core_type = #tpu.core_type<tc>} {
    %broadcast_in_dim3A = arith.constant 1.000000e+00 : f32
    %broadcast_in_dim3A_0 = vector.broadcast %broadcast_in_dim3A : f32 to vector<32x1xf32>
    %get3A = arith.constant 0 : index
    %get3A_1 = arith.constant 0 : index
    %get3A_2 = vector.load %arg0[%get3A, %get3A_1] : memref<32x10240xf32, #tpu.memory_space<vmem>>, vector<32x10240xf32>
    %dot_general3A = arith.constant dense<0.000000e+00> : vector<10240x1xf32>
    %dot_general3A_3 = tpu.matmul %get3A_2, %broadcast_in_dim3A_0, %dot_general3A {dimension_numbers = #tpu.dot_dimension_numbers<[0], [0], [1], [1], [0, 1, 1, 1], [], []>, transpose_lhs_hint = false} : vector<32x10240xf32>, vector<32x1xf32>, vector<10240x1xf32> -> vector<10240x1xf32>
    %slice3A = vector.extract_strided_slice %dot_general3A_3 {offsets = [0, 0], sizes = [10000, 1], strides = [1, 1]} : vector<10240x1xf32> to vector<10000x1xf32>
    %add3A = arith.constant 1.000000e+00 : f32
    %add3A_4 = vector.broadcast %add3A : f32 to vector<10000x1xf32>
    %add3A_5 = arith.addf %slice3A, %add3A_4 : vector<10000x1xf32>
    %rsqrt3A = math.rsqrt %add3A_5 : vector<10000x1xf32>
    %get3A_6 = arith.constant 0 : index
    %get3A_7 = arith.constant 0 : index
    %get3A_8 = vector.load %arg1[%get3A_6, %get3A_7] : memref<20480x128xf32, #tpu.memory_space<vmem>>, vector<10000x128xf32>
    %get3A_9 = arith.constant 10240 : index
    %get3A_10 = arith.constant 0 : index
    %get3A_11 = vector.load %arg1[%get3A_9, %get3A_10] : memref<20480x128xf32, #tpu.memory_space<vmem>>, vector<10000x128xf32>
    %add3A_12 = arith.addf %get3A_8, %get3A_11 : vector<10000x128xf32>
    %get3A_13 = arith.constant 0 : index
    %get3A_14 = arith.constant 0 : index
    %get3A_15 = vector.load %arg2[%get3A_13, %get3A_14] : memref<10000x128xf32, #tpu.memory_space<vmem>>, vector<10000x128xf32>
    %add3A_16 = arith.addf %add3A_12, %get3A_15 : vector<10000x128xf32>
    %mul3A = vector.broadcast %rsqrt3A : vector<10000x1xf32> to vector<10000x128xf32>
    %mul3A_17 = arith.mulf %add3A_16, %mul3A : vector<10000x128xf32>
    %get3A_18 = arith.constant 0 : index
    %get3A_19 = arith.constant 0 : index
    %get3A_20 = vector.load %arg3[%get3A_18, %get3A_19] : memref<1x128xf32, #tpu.memory_space<vmem>>, vector<1x128xf32>
    %add3A_21 = vector.broadcast %get3A_20 : vector<1x128xf32> to vector<10000x128xf32>
    %add3A_22 = arith.addf %mul3A_17, %add3A_21 : vector<10000x128xf32>
    %max3A = arith.constant 0.000000e+00 : f32
    %max3A_23 = vector.broadcast %max3A : f32 to vector<10000x128xf32>
    %max3A_24 = arith.maximumf %add3A_22, %max3A_23 : vector<10000x128xf32>
    %get3A_25 = arith.constant 0 : index
    %get3A_26 = arith.constant 0 : index
    %get3A_27 = vector.load %arg4[%get3A_25, %get3A_26] : memref<128x8xf32, #tpu.memory_space<vmem>>, vector<128x8xf32>
    %dot_general3A_28 = arith.constant dense<0.000000e+00> : vector<10000x8xf32>
    %dot_general3A_29 = tpu.matmul %max3A_24, %get3A_27, %dot_general3A_28 {dimension_numbers = #tpu.dot_dimension_numbers<[1], [0], [0], [1], [0, 0, 1, 1], [], []>, transpose_lhs_hint = false} : vector<10000x128xf32>, vector<128x8xf32>, vector<10000x8xf32> -> vector<10000x8xf32>
    %mul3A_30 = vector.broadcast %rsqrt3A : vector<10000x1xf32> to vector<10000x8xf32>
    %mul3A_31 = arith.mulf %dot_general3A_29, %mul3A_30 : vector<10000x8xf32>
    %swap3A = arith.constant 0 : index
    %swap3A_32 = arith.constant 0 : index
    %swap3A_33 = vector.load %arg5[%swap3A, %swap3A_32] : memref<10000x8xf32, #tpu.memory_space<vmem>>, vector<10000x8xf32>
    tpu.vector_store %arg5[%swap3A, %swap3A_32], %mul3A_31 {strides = array<i32>} : memref<10000x8xf32, #tpu.memory_space<vmem>>, vector<10000x8xf32>,
    return
  }
}

module attributes {stable_mosaic.version = 14 : i64} {
  func.func @_tc3_body(%arg0: memref<32x10240xf32, #tpu.memory_space<vmem>>, %arg1: memref<20480x8xf32, #tpu.memory_space<vmem>>, %arg2: memref<10000x8xf32, #tpu.memory_space<vmem>>, %arg3: memref<1x3xf32, #tpu.memory_space<vmem>>, %arg4: memref<10000x3xf32, #tpu.memory_space<vmem>>) attributes {dimension_semantics = [], scalar_prefetch = 0 : i64, scratch_operands = 0 : i64, tpu.core_type = #tpu.core_type<tc>} {
    %broadcast_in_dim3A = arith.constant 1.000000e+00 : f32
    %broadcast_in_dim3A_0 = vector.broadcast %broadcast_in_dim3A : f32 to vector<32x1xf32>
    %get3A = arith.constant 0 : index
    %get3A_1 = arith.constant 0 : index
    %get3A_2 = vector.load %arg0[%get3A, %get3A_1] : memref<32x10240xf32, #tpu.memory_space<vmem>>, vector<32x10240xf32>
    %dot_general3A = arith.constant dense<0.000000e+00> : vector<10240x1xf32>
    %dot_general3A_3 = tpu.matmul %get3A_2, %broadcast_in_dim3A_0, %dot_general3A {dimension_numbers = #tpu.dot_dimension_numbers<[0], [0], [1], [1], [0, 1, 1, 1], [], []>, transpose_lhs_hint = false} : vector<32x10240xf32>, vector<32x1xf32>, vector<10240x1xf32> -> vector<10240x1xf32>
    %slice3A = vector.extract_strided_slice %dot_general3A_3 {offsets = [0, 0], sizes = [10000, 1], strides = [1, 1]} : vector<10240x1xf32> to vector<10000x1xf32>
    %add3A = arith.constant 1.000000e+00 : f32
    %add3A_4 = vector.broadcast %add3A : f32 to vector<10000x1xf32>
    %add3A_5 = arith.addf %slice3A, %add3A_4 : vector<10000x1xf32>
    %rsqrt3A = math.rsqrt %add3A_5 : vector<10000x1xf32>
    %get3A_6 = arith.constant 0 : index
    %get3A_7 = arith.constant 0 : index
    %get3A_8 = vector.load %arg1[%get3A_6, %get3A_7] : memref<20480x8xf32, #tpu.memory_space<vmem>>, vector<10000x8xf32>
    %get3A_9 = arith.constant 10240 : index
    %get3A_10 = arith.constant 0 : index
    %get3A_11 = vector.load %arg1[%get3A_9, %get3A_10] : memref<20480x8xf32, #tpu.memory_space<vmem>>, vector<10000x8xf32>
    %add3A_12 = arith.addf %get3A_8, %get3A_11 : vector<10000x8xf32>
    %get3A_13 = arith.constant 0 : index
    %get3A_14 = arith.constant 0 : index
    %get3A_15 = vector.load %arg2[%get3A_13, %get3A_14] : memref<10000x8xf32, #tpu.memory_space<vmem>>, vector<10000x8xf32>
    %add3A_16 = arith.addf %add3A_12, %get3A_15 : vector<10000x8xf32>
    %mul3A = vector.broadcast %rsqrt3A : vector<10000x1xf32> to vector<10000x8xf32>
    %mul3A_17 = arith.mulf %add3A_16, %mul3A : vector<10000x8xf32>
    %slice3A_18 = vector.extract_strided_slice %mul3A_17 {offsets = [0, 0], sizes = [10000, 3], strides = [1, 1]} : vector<10000x8xf32> to vector<10000x3xf32>
    %get3A_19 = arith.constant 0 : index
    %get3A_20 = arith.constant 0 : index
    %get3A_21 = vector.load %arg3[%get3A_19, %get3A_20] : memref<1x3xf32, #tpu.memory_space<vmem>>, vector<1x3xf32>
    %add3A_22 = vector.broadcast %get3A_21 : vector<1x3xf32> to vector<10000x3xf32>
    %add3A_23 = arith.addf %slice3A_18, %add3A_22 : vector<10000x3xf32>
    %swap3A = arith.constant 0 : index
    %swap3A_24 = arith.constant 0 : index
    %swap3A_25 = vector.load %arg4[%swap3A, %swap3A_24] : memref<10000x3xf32, #tpu.memory_space<vmem>>, vector<10000x3xf32>
    tpu.vector_store %arg4[%swap3A, %swap3A_24], %add3A_23 {strides = array<i32>} : memref<10000x3xf32, #tpu.memory_space<vmem>>, vector<10000x3xf32>,
    return
  }
}

</mosaic_0001>

<sc_bundles>
// kernel: kernel.11.cloned.1.call-start
scs
__scs_entry_jumppad:
0x0: {  	(pc) =	sbr.rel $0x88, $3  }
0x1: {  	(tag) =	ssettag $0x0;
	lr =	simm.s32 $0x1  }
0x2: {  	[smem:$0x3F9B] =	sst lr;
	_ =	strace $0xD0000000  }
0x3: {  	_ = 	snop  }
0x4: {  	_ = 	snop  }
0x5: {  	_ = 	snop  }
0x6: {  	_ = 	snop  }
0x7: {  	_ = 	snop  }
__scs_overlays_trampoline_lowered:
0x8: {  	[smem:$0x3FAA] =	sst s0  }
0x9: {  	[smem:$0x3FAB] =	sst s1  }
0xa: {  	[smem:$0x3FAC] =	sst s2  }
0xb: {  	[smem:$0x3FAD] =	sst s3  }
0xc: {  	[smem:$0x3FAE] =	sst s4  }
0xd: {  	[smem:$0x3FAF] =	sst s5  }
0xe: {  	[smem:$0x3FB0] =	sst s6  }
0xf: {  	[smem:$0x3FB1] =	sst s7  }
0x10: {  	[smem:$0x3FB2] =	sst s8  }
0x11: {  	[smem:$0x3FB3] =	sst s9;
	s0 =	simm.s32 @!p0 $0x0  }
0x12: {  	s1 =	sld [smem:$0x3F99];
	s0 =	simm.s32 @p0 $0x1  }
0x13: {  	[smem:$0x3FB4] =	sst s0;
	s0 =	simm.s32 @!p1 $0x0  }
0x14: {  	s2 =	sld [smem:$0x3F98];
	s0 =	simm.s32 @p1 $0x1  }
0x15: {  	[smem:$0x3FB5] =	sst s0;
	s0 =	simm.s32 @!p2 $0x0  }
0x16: {  	s3 =	sld [smem:$0x3FDB];
	s0 =	simm.s32 @p2 $0x1  }
0x17: {  	s4 =	simm.s32 $0x1BF5;
	[smem:$0x3FB7] =	sst s0  }
0x18: {  	s0 =	sld [smem:$0x3F9A];
	_ =	swait.ge [sflag:s4], $0x0  }
0x19: {  	s7 =	sld [smem:$0x3F9B]  }
0x1a: {  	s8 =	sadd.s32 $0xFFFFE003, lr  }
0x1b: {  	s9 =	sadd.s32 $0xFFFFFEF7, lr;
	s5 =	simm.s32 $0xFFFFFFFF;
	p2 =	slt.u32 s8, $0xFFFFF086  }
0x1c: {  	p1 =	slt.u32 s9, $0xF7A;
	s5 =	simm.s32 @!p2 $0x0  }
0x1d: {  	s5 =	simm.s32 @p1 $0x1;
	p0 =	seq.s32 s7, s2  }
0x1e: {  	s7 =	smul.u32 @!p0 $0xF7A, s2;
	p2 =	seq.s32 @!p0 s5, $0x0  }
0x1f: {  	s9 =	smul.u32 $0xF7A, s1;
	s8 =	simm.s32 @!p0 $0x1BF5;
	p2 =	por !p2, p0  }
0x20: {  	[sflag:s8] =	ssyncset.s32 @!p0 $0xFFFFF086;
	s6 =	sadd.s32 @!p0 s3, s7;
	s7 =	simm.s32 @!p0 $0x108  }
0x21: {  	s3 =	sadd.s32 s3, s9;
	s6 =	sadd.s32 @!p0 $0x88, s6;
	s7 =	simm.s32 @p2 $0x1082  }
0x22: {  	[simem:s7], [sflag:s8] =	dma.local @!p0 [hbm:s6], $0xF7A  }
0x23: {  	s9 =	sor.u32 $0xD0000000, s2;
	s6 =	simm.s32 $0x108;
	_ =	swait.ge @!p0 [sflag:s8], $0x0  }
0x24: {  	s3 =	sadd.s32 $0x88, s3;
	s6 =	simm.s32 @!p1 $0x1082;
	[sflag:s4] =	ssyncset.s32 $0xFFFFF086  }
0x25: {  	[simem:s6], [sflag:s4] =	dma.local [hbm:s3], $0xF7A  }
0x26: {  	[smem:$0x3F9B] =	sst s1;
	(tag) =	ssettag s2;
	_ =	strace s9  }
0x27: {  	s1 =	sld [smem:$0x3FAB]  }
0x28: {  	s2 =	sld [smem:$0x3FAC]  }
0x29: {  	s4 =	sld [smem:$0x3FAE]  }
0x2a: {  	p0 =	seq.s32 s5, $0x0;
	s5 =	sld [smem:$0x3FAF]  }
0x2b: {  	s6 =	sld [smem:$0x3FB0]  }
0x2c: {  	s7 =	sld [smem:$0x3FB1]  }
0x2d: {  	s3 =	simm.s32 $0x108;
	s8 =	sld [smem:$0x3FB2]  }
0x2e: {  	s3 =	simm.s32 @!p0 $0x1082;
	s9 =	sld [smem:$0x3FB3]  }
0x2f: {  	lr =	sadd.s32 s0, s3;
	s0 =	sld [smem:$0x3FAA]  }
0x30: {  	s3 =	sld [smem:$0x3FAD]  }
0x31: {  	[smem:$0x3FB6] =	sst s10  }
0x32: {  	s10 =	sld [smem:$0x3FB4];
	_ =	sdelay $0x3  }
0x33: {  	p0 =	seq.s32 s10, $0x1;
	s10 =	sld [smem:$0x3FB6];
	_ =	sdelay $0x3  }
0x34: {  	[smem:$0x3FB6] =	sst s10  }
0x35: {  	s10 =	sld [smem:$0x3FB5];
	_ =	sdelay $0x3  }
0x36: {  	p1 =	seq.s32 s10, $0x1;
	s10 =	sld [smem:$0x3FB6];
	_ =	sdelay $0x3  }
0x37: {  	[smem:$0x3FB6] =	sst s10  }
0x38: {  	s10 =	sld [smem:$0x3FB7]  }
0x39: {  	_ = 	snop;
	(pc) =	sbr.ind lr, $3  }
0x3a: {  	_ = 	snop  }
0x3b: {  	_ = 	snop  }
0x3c: {  	p2 =	seq.s32 s10, $0x1;
	s10 =	sld [smem:$0x3FB6]  }
0x3d: {  	_ =	shalt  }
0x3e: {  	_ =	shalt  }
0x3f: {  	_ =	shalt  }
0x40: {  	_ =	shalt  }
0x41: {  	_ =	shalt  }
0x42: {  	_ =	shalt  }
0x43: {  	_ =	shalt  }
0x44: {  	_ =	shalt  }
0x45: {  	_ =	shalt  }
0x46: {  	_ =	shalt  }
0x47: {  	_ =	shalt  }
0x48: {  	_ =	shalt  }
0x49: {  	_ =	shalt  }
0x4a: {  	_ =	shalt  }
0x4b: {  	_ =	shalt  }
0x4c: {  	_ =	shalt  }
0x4d: {  	_ =	shalt  }
0x4e: {  	_ =	shalt  }
0x4f: {  	_ =	shalt  }
0x50: {  	_ =	shalt  }
0x51: {  	_ =	shalt  }
0x52: {  	_ =	shalt  }
0x53: {  	_ =	shalt  }
0x54: {  	_ =	shalt  }
0x55: {  	_ =	shalt  }
0x56: {  	_ =	shalt  }
0x57: {  	_ =	shalt  }
0x58: {  	_ =	shalt  }
0x59: {  	_ =	shalt  }
0x5a: {  	_ =	shalt  }
0x5b: {  	_ =	shalt  }
0x5c: {  	_ =	shalt  }
0x5d: {  	_ =	shalt  }
0x5e: {  	_ =	shalt  }
0x5f: {  	_ =	shalt  }
0x60: {  	_ =	shalt  }
0x61: {  	_ =	shalt  }
0x62: {  	_ =	shalt  }
0x63: {  	_ =	shalt  }
0x64: {  	_ =	shalt  }
0x65: {  	_ =	shalt  }
0x66: {  	_ =	shalt  }
0x67: {  	_ =	shalt  }
0x68: {  	_ =	shalt  }
0x69: {  	_ =	shalt  }
0x6a: {  	_ =	shalt  }
0x6b: {  	_ =	shalt  }
0x6c: {  	_ =	shalt  }
0x6d: {  	_ =	shalt  }
0x6e: {  	_ =	shalt  }
0x6f: {  	_ =	shalt  }
0x70: {  	_ =	shalt  }
0x71: {  	_ =	shalt  }
0x72: {  	_ =	shalt  }
0x73: {  	_ =	shalt  }
0x74: {  	_ =	shalt  }
0x75: {  	_ =	shalt  }
0x76: {  	_ =	shalt  }
0x77: {  	_ =	shalt  }
0x78: {  	_ =	shalt  }
0x79: {  	_ =	shalt  }
0x7a: {  	_ =	shalt  }
0x7b: {  	_ =	shalt  }
0x7c: {  	_ =	shalt  }
0x7d: {  	_ =	shalt  }
0x7e: {  	_ =	shalt  }
0x7f: {  	_ =	shalt  }
0x80: {  	_ =	shalt  }
0x81: {  	_ =	shalt  }
0x82: {  	_ =	shalt  }
0x83: {  	_ =	shalt  }
0x84: {  	_ =	shalt  }
0x85: {  	_ =	shalt  }
0x86: {  	_ =	shalt  }
0x87: {  	_ =	shalt  }
.Lfunc_end0:
.L_simem_size_0:
called_computation.1_lowered:
.L_overlay_start_0:
0x88: {  	s2 =	sld [smem:$0x3FD9]  }
0x89: {  	s3 =	sld [smem:$0x3FFE];
	_ =	sdelay $0x1  }
0x8a: {  	s1 =	srdreg.scid  }
0x8b: {  	s0 =	sand.u32 $0x1, s1  }
0x8c: {  	s16 =	sshll.u32 s0, $0xA;
	s2 =	sadd.s32 s3, s2  }
0x8d: {  	s2 =	sadd.s32 s2, s16  }
0x8e: {  	[smem:$0x3FC2] =	sst s2  }
0x8f: {  	_ = 	snop  }
0x90: {  	(tm) =	ssettm $0x1  }
0x91: {  	s17 =	sld [smem:$0x3FFB];
	_ =	sdelay $0x3  }
0x92: {  	_ =	strace s17  }
0x93: {  	s2 =	sld [smem:$0x3FFC];
	_ =	sdelay $0x3  }
0x94: {  	_ =	strace s2  }
0x95: {  	s2 =	sld [smem:$0x3FFD];
	_ =	sdelay $0x3  }
0x96: {  	_ =	strace s2  }
0x97: {  	_ =	strace $0x8FFFFFFF  }
0x98: {  	s18 =	sld [smem:$0x3FDB];
	_ =	sdelay $0x1  }
0x99: {  	s19 =	simm.s32 $_scs_section_size  }
0x9a: {  	s4 =	simm.s32 $_size__tile_overlayer_lowered;
	s5 =	simm.s32 $_tile_overlayer_lowered  }
0x9b: {  	s22 =	simm.s32 $0x1BFF;
	s21 =	sshll.u32 s5, $0x1;
	s2 =	sadd.s32 s19, s18  }
0x9c: {  	s6 =	simm.s32 $0x0;
	s20 =	sshll.u32 s4, $0x1;
	s4 =	sadd.s32 s21, s2  }
0x9d: {  	[timem:s6], [sflag:s22] =	dma.local [hbm:s4], s20  }
0x9e: {  	_ =	swait.ge [sflag:s22], s20  }
0x9f: {  	s3 =	ssub.s32 $0x0, s20;
	[sflag:s22] =	ssyncset.done $0x0  }
0xa0: {  	[sflag:s22] =	ssyncadd.s32 s3;
	_ =	sdelay $0x1  }
0xa1: {  	s23 =	simm.s32 $0x1B8B  }
0xa2: {  	_ =	swait.ge [sflag:s23], $0x1  }
0xa3: {  	[sflag:s23] =	ssyncset.done $0x0  }
0xa4: {  	s25 =	simm.s32 $0x1B8E;
	s24 =	sld [smem:$0x3FFE];
	[sflag:s23] =	ssyncadd.s32 $0xFFFFFFFF  }
0xa5: {  	s26 =	simm.s32 $execute0_lowered;
	[smem:$0x3FD2] =	sst s25  }
0xa6: {  	s4 =	sshll.u32 s26, $0x1;
	_ =	strace $0x80000049;
	[dreg:$0x1] =	wrdreg $0xFFFFFFFF  }
0xa7: {  	s28 =	simm.s32 $_size_execute0_lowered;
	s2 =	sadd.s32 s2, s4;
	[dreg:$0x0] =	wrdreg $0x0  }
0xa8: {  	s4 =	sshll.u32 s28, $0x1;
	[dreg:$0x2] =	wrdreg s2  }
0xa9: {  	[dreg:$0x3] =	wrdreg s4  }
0xaa: {  	[dreg:$0x4] =	wrdreg $0xC0  }
0xab: {  	_ =	task [dreg:s6], $0x5FFFF  }
0xac: {  	[dreg:$0x1] =	wrdreg $0xFFFFFFFF  }
0xad: {  	[dreg:$0x0] =	wrdreg $0x60  }
0xae: {  	[dreg:$0x2] =	wrdreg s24  }
0xaf: {  	[dreg:$0x3] =	wrdreg $0xA0000  }
0xb0: {  	[dreg:$0x4] =	wrdreg $0x9  }
0xb1: {  	_ =	task.clear_ibuf [dreg:s6], $0x5FFFF;
	_ =	strace $0x90000049  }
0xb2: {  	s29 =	simm.s32 $0x9;
	_ =	strace $0x8000004B  }
0xb3: {  	_ =	swait.ge [sflag:s29], $0x1  }
0xb4: {  	[sflag:s29] =	ssyncadd.s32 $0xFFFFFFFF  }
0xb5: {  	_ =	strace $0x9000004B  }
0xb6: {  	_ =	sfence  }
0xb7: {  	s30 =	sld [smem:$0x0];
	_ =	sdelay $0x2  }
0xb8: {  	s31 =	sshll.u32 s1, $0xD;
	s1 =	sshrl.u32 s1, $0x2  }
0xb9: {  	s3 =	sand.u32 $0x4000, s31;
	s1 =	sadd.s32 s1, s30  }
0xba: {  	s0 =	sor.u32 s3, s0;
	s1 =	sshll.u32 s1, $0x11  }
0xbb: {  	s0 =	sor.u32 s1, s0  }
0xbc: {  	s0 =	sadd.s32 $0x8F2B, s0  }
0xbd: {  	[sflag:s0] =	ssyncadd.remote.s32 $0x1  }
0xbe: {  	_ =	sfence.sel $0xFFFF  }
0xbf: {  	[dreg:$0x0] =	wrdreg $0xFFFFFFFF;
	(pc) =	sbr.abs _section_cstart, $3  }
0xc0: {  	[dreg:$0x1] =	wrdreg $0xFFFFFFFF  }
0xc1: {  	_ =	task.clear_ibuf [dreg:s6], $0x2FFFF;
	_ =	strace $0x9FFFFFFF  }
0xc2: {  	(tm) =	ssettm $0x7FFFFFFF  }
0xc3: {  	_ =	shalt  }
tec
execute0_lowered:
.L_overlay_start_1:
0x0: {  	(tag) =	ssettag $0x1  }
0x1: {  	s1 =	srdreg.scid  }
0x2: {  	s0 =	stileid.u32;
	s6 =	rddreg [dreg:$0x0]  }
0x3: {  	s2 =	rddreg [dreg:$0x1];
	s3 =	simm.s32 $0x0;
	s15 =	simm.s32 $0x2  }
0x4: {  	s16 =	simm.s32 $0x50;
	s17 =	simm.s32 $0x5000;
	s18 =	simm.s32 $0x7800  }
0x5: {  	s19 =	simm.s32 $0x4F00;
	s20 =	simm.s32 $0x3;
	s21 =	simm.s32 $0xA0  }
0x6: {  	s22 =	simm.s32 $0x4F80;
	s23 =	simm.s32 $0x4;
	s24 =	simm.s32 $0x0  }
0x7: {  	s7 =	sand.u32 $0x1, s1;
	s1 =	rddreg [dreg:$0x2];
	s8 =	smul.u32 $0x2800, s0  }
0x8: {  	s28 =	sshll.u32 s0, $0x1;
	[smem:$0x7FF] =	sst s3;
	s11 =	smul.u32 $0x50000, s0  }
0x9: {  	s31 =	sshll.u32 s0, $0x6;
	s4 =	sor.u32 s7, s28;
	s9 =	smul.u32 $0x28000, s7  }
0xa: {  	_ =	strace $0x8000004A;
	s7 =	ssub.s32 $0x2, s7;
	s5 =	smul.u32 $0x4E2, s4  }
0xb: {  	s4 =	sadd.s32 $0x15800, s6;
	s29 =	sshrl.u32 s7, $0x1;
	s30 =	sshrl.u32 s11, $0x2  }
0xc: {  	s11 =	simm.s32 $0x2780;
	s8 =	sadd.s32 s8, s9;
	s13 =	ssub.s32 s7, s29  }
0xd: {  	s14 =	sadd.s32 s30, s2;
	s10 =	sadd.s32 s5, s6;
	s5 =	sadd.s32 $0x3CA00, s6  }
0xe: {  	s12 =	sadd.s32 s8, s6;
	s8 =	sor.u32 $0x1C05, s31;
	s6 =	sadd.s32 $0x1C00, s10  }
0xf: {  	s7 =	sadd.s32 $0xBA00, s10;
	s9 =	sadd.s32 $0x3F200, s12;
	s10 =	smax.u32 s13, $0x1  }
0x10: {  	s12 =	sshrl.u32 s14, $0x3;
	s13 =	simm.s32 $0x5;
	s14 =	simm.s32 $0x1  }
.LBB2_1:
0x11: {  	[tilespmem:s3], [sflag:$0x1] =	stream.linear.gather [hbm4b:s6+s3], $0x2710, $0x38;
	[tilespmem:$0x1E000] =	vst v63  }
0x12: {  	_ = 	snop  }
0x13: {  	[tilespmem:s11], [sflag:$0x2] =	stream.linear.gather [hbm4b:s7+s3], $0x2710, $0x38;
	[tilespmem:$0x1E000] =	vst v63  }
0x14: {  	[spmem:s12], [sflag:s8] =	dma.local [hbm:s5], $0x2800  }
0x15: {  	_ =	swait.ge [sflag:s13], $0x2800  }
0x16: {  	[sflag:s13] =	ssyncset.done $0x0  }
0x17: {  	[sflag:s13] =	ssyncadd.s32 $0xFFFFD800  }
0x18: {  	_ =	swait.ge [sflag:s14], $0x2710  }
0x19: {  	[sflag:s14] =	ssyncset.done $0x0  }
0x1a: {  	[sflag:s14] =	ssyncadd.s32 $0xFFFFD8F0  }
0x1b: {  	_ =	swait.ge [sflag:s15], $0x2710  }
0x1c: {  	[sflag:s15] =	ssyncset.done $0x0  }
0x1d: {  	[sflag:s15] =	ssyncadd.s32 $0xFFFFD8F0  }
0x1e: {  	[bflag:$0x0] =	sbarrier.arrive $0xFFFF  }
0x1f: {  	[tilespmem:s17], [sflag:$0x1] =	stream.indirect.gather [hbm4b:s4+s16], $0x80, s3, s16, $0xb8;
	[tilespmem:$0x1E000] =	vst v63  }
0x20: {  	v0 =	vld [tilespmem:$0x2780]  }
0x21: {  	v1 =	vld [tilespmem:$0x2790]  }
0x22: {  	v2 =	vld [tilespmem:$0x27A0]  }
0x23: {  	v3 =	vld [tilespmem:$0x27B0]  }
0x24: {  	v4 =	vld [tilespmem:$0x27C0]  }
0x25: {  	[tilespmem:$0x4F00] =	vst v0  }
0x26: {  	[tilespmem:$0x4F10] =	vst v1  }
0x27: {  	[tilespmem:$0x4F20] =	vst v2  }
0x28: {  	[tilespmem:$0x4F30] =	vst v3  }
0x29: {  	[tilespmem:$0x4F40] =	vst v4  }
0x2a: {  	[tilespmem:s18], [sflag:$0x2] =	stream.indirect.gather [hbm4b:s4+s16], $0x80, s16, s16, $0xb8;
	[tilespmem:$0x1E000] =	vst v63  }
0x2b: {  	v52 =	vld [tilespmem:$0x27D0]  }
0x2c: {  	v53 =	vld [tilespmem:$0x27E0]  }
0x2d: {  	v54 =	vld [tilespmem:$0x27F0]  }
0x2e: {  	v55 =	vld [tilespmem:$0x2800]  }
0x2f: {  	v56 =	vld [tilespmem:$0x2810]  }
0x30: {  	[tilespmem:$0x4F80] =	vst v52  }
0x31: {  	[tilespmem:$0x4F90] =	vst v53  }
0x32: {  	[tilespmem:$0x4FA0] =	vst v54  }
0x33: {  	[tilespmem:$0x4FB0] =	vst v55  }
0x34: {  	[tilespmem:$0x4FC0] =	vst v56  }
0x35: {  	_ =	swait.ge [sflag:s14], $0x2800  }
0x36: {  	[sflag:s14] =	ssyncset.done $0x0  }
0x37: {  	[sflag:s14] =	ssyncadd.s32 $0xFFFFD800  }
0x38: {  	[spmem:s2] =	stream.indirect.scatter.add.f32 [tilespmem:s17], [sflag:$0x3], $0x80, s19, s16, $0xb8;
	[tilespmem:$0x1E000] =	vst v63  }
0x39: {  	_ =	swait.ge [sflag:s20], $0x2800  }
0x3a: {  	[sflag:s20] =	ssyncset.done $0x0  }
0x3b: {  	[sflag:s20] =	ssyncadd.s32 $0xFFFFD800  }
0x3c: {  	[tilespmem:s17], [sflag:$0x1] =	stream.indirect.gather [hbm4b:s4+s16], $0x80, s21, s16, $0xb8;
	[tilespmem:$0x1E000] =	vst v63  }
0x3d: {  	v57 =	vld [tilespmem:$0x2820]  }
0x3e: {  	v58 =	vld [tilespmem:$0x2830]  }
0x3f: {  	v59 =	vld [tilespmem:$0x2840]  }
0x40: {  	v60 =	vld [tilespmem:$0x2850]  }
0x41: {  	v61 =	vld [tilespmem:$0x2860]  }
0x42: {  	[tilespmem:$0x4F00] =	vst v57  }
0x43: {  	[tilespmem:$0x4F10] =	vst v58  }
0x44: {  	[tilespmem:$0x4F20] =	vst v59  }
0x45: {  	[tilespmem:$0x4F30] =	vst v60  }
0x46: {  	[tilespmem:$0x4F40] =	vst v61  }
0x47: {  	_ =	swait.ge [sflag:s15], $0x2800  }
0x48: {  	[sflag:s15] =	ssyncset.done $0x0  }
0x49: {  	[sflag:s15] =	ssyncadd.s32 $0xFFFFD800  }
0x4a: {  	[spmem:s2] =	stream.indirect.scatter.add.f32 [tilespmem:s18], [sflag:$0x4], $0x80, s22, s16, $0xb8;
	[tilespmem:$0x1E000] =	vst v63  }
0x4b: {  	_ =	swait.ge [sflag:s23], $0x2800  }
0x4c: {  	[sflag:s23] =	ssyncset.done $0x0  }
0x4d: {  	s25 =	simm.s32 $0x0;
	s26 =	simm.s32 $0xF0;
	[sflag:s23] =	ssyncadd.s32 $0xFFFFD800  }
0x4e: {  	[tilespmem:s18], [sflag:$0x2] =	stream.indirect.gather [hbm4b:s4+s16], $0x80, s26, s16, $0xb8;
	[tilespmem:$0x1E000] =	vst v63  }
0x4f: {  	v62 =	vld [tilespmem:s25+$0x2870];
	_ =	sdelay $0x4  }
0x50: {  	[tilespmem:$0x4F80] =	vst v62  }
0x51: {  	v0 =	vld [tilespmem:s25+$0x2880];
	_ =	sdelay $0x4  }
0x52: {  	[tilespmem:$0x4F90] =	vst v0  }
0x53: {  	v0 =	vld [tilespmem:s25+$0x2890];
	_ =	sdelay $0x4  }
0x54: {  	[tilespmem:$0x4FA0] =	vst v0  }
0x55: {  	v0 =	vld [tilespmem:s25+$0x28A0];
	_ =	sdelay $0x4  }
0x56: {  	[tilespmem:$0x4FB0] =	vst v0  }
0x57: {  	v0 =	vld [tilespmem:s25+$0x28B0];
	_ =	sdelay $0x4  }
0x58: {  	[tilespmem:$0x4FC0] =	vst v0  }
0x59: {  	_ =	swait.ge [sflag:s14], $0x2800  }
0x5a: {  	[sflag:s14] =	ssyncset.done $0x0  }
0x5b: {  	[sflag:s14] =	ssyncadd.s32 $0xFFFFD800  }
0x5c: {  	[spmem:s2] =	stream.indirect.scatter.add.f32 [tilespmem:s17], [sflag:$0x3], $0x80, s19, s16, $0xb8;
	[tilespmem:$0x1E000] =	vst v63  }
0x5d: {  	_ =	swait.ge [sflag:s20], $0x2800  }
0x5e: {  	[sflag:s20] =	ssyncset.done $0x0  }
0x5f: {  	s31 =	simm.s32 $0x140;
	[sflag:s20] =	ssyncadd.s32 $0xFFFFD800  }
0x60: {  	[tilespmem:s17], [sflag:$0x1] =	stream.indirect.gather [hbm4b:s4+s16], $0x80, s31, s16, $0xb8;
	[tilespmem:$0x1E000] =	vst v63  }
0x61: {  	v63 =	vld [tilespmem:s25+$0x28C0];
	_ =	sdelay $0x4  }
0x62: {  	[tilespmem:$0x4F00] =	vst v63  }
0x63: {  	v0 =	vld [tilespmem:s25+$0x28D0];
	_ =	sdelay $0x4  }
0x64: {  	[tilespmem:$0x4F10] =	vst v0  }
0x65: {  	v0 =	vld [tilespmem:s25+$0x28E0];
	_ =	sdelay $0x4  }
0x66: {  	[tilespmem:$0x4F20] =	vst v0  }
0x67: {  	v0 =	vld [tilespmem:s25+$0x28F0];
	_ =	sdelay $0x4  }
0x68: {  	[tilespmem:$0x4F30] =	vst v0  }
0x69: {  	v0 =	vld [tilespmem:s25+$0x2900];
	_ =	sdelay $0x4  }
0x6a: {  	[tilespmem:$0x4F40] =	vst v0  }
0x6b: {  	_ =	swait.ge [sflag:s15], $0x2800  }
0x6c: {  	[sflag:s15] =	ssyncset.done $0x0  }
0x6d: {  	s25 =	simm.s32 $0x280;
	[sflag:s15] =	ssyncadd.s32 $0xFFFFD800  }
.LBB2_2:
0x6e: {  	[spmem:s2] =	stream.indirect.scatter.add.f32 [tilespmem:s18], [sflag:$0x4], $0x80, s22, s16, $0xb8;
	[tilespmem:$0x1E000] =	vst v63  }
0x6f: {  	s26 =	smov.u32 s25  }
0x70: {  	p0 =	sne.s32 s25, $0x9600;
	s25 =	sadd.s32 $0x280, s25;
	_ =	swait.ge [sflag:s23], $0x2800  }
0x71: {  	s26 =	sshra.s32 s26, $0x2;
	[sflag:s23] =	ssyncset.done $0x0  }
0x72: {  	s28 =	sadd.s32 $0xF0, s26;
	[sflag:s23] =	ssyncadd.s32 $0xFFFFD800  }
0x73: {  	[tilespmem:s18], [sflag:$0x2] =	stream.indirect.gather [hbm4b:s4+s16], $0x80, s28, s16, $0xb8;
	[tilespmem:$0x1E000] =	vst v63  }
0x74: {  	v0 =	vld [tilespmem:s26+$0x2870];
	_ =	sdelay $0x4  }
0x75: {  	[tilespmem:$0x4F80] =	vst v0  }
0x76: {  	v0 =	vld [tilespmem:s26+$0x2880];
	_ =	sdelay $0x4  }
0x77: {  	[tilespmem:$0x4F90] =	vst v0  }
0x78: {  	v0 =	vld [tilespmem:s26+$0x2890];
	_ =	sdelay $0x4  }
0x79: {  	[tilespmem:$0x4FA0] =	vst v0  }
0x7a: {  	v0 =	vld [tilespmem:s26+$0x28A0];
	_ =	sdelay $0x4  }
0x7b: {  	[tilespmem:$0x4FB0] =	vst v0  }
0x7c: {  	v0 =	vld [tilespmem:s26+$0x28B0];
	_ =	sdelay $0x4  }
0x7d: {  	[tilespmem:$0x4FC0] =	vst v0  }
0x7e: {  	_ =	swait.ge [sflag:s14], $0x2800  }
0x7f: {  	[sflag:s14] =	ssyncset.done $0x0  }
0x80: {  	[sflag:s14] =	ssyncadd.s32 $0xFFFFD800  }
0x81: {  	[spmem:s2] =	stream.indirect.scatter.add.f32 [tilespmem:s17], [sflag:$0x3], $0x80, s19, s16, $0xb8;
	[tilespmem:$0x1E000] =	vst v63  }
0x82: {  	_ =	swait.ge [sflag:s20], $0x2800  }
0x83: {  	[sflag:s20] =	ssyncset.done $0x0  }
0x84: {  	s28 =	sadd.s32 $0x140, s26;
	[sflag:s20] =	ssyncadd.s32 $0xFFFFD800  }
0x85: {  	[tilespmem:s17], [sflag:$0x1] =	stream.indirect.gather [hbm4b:s4+s16], $0x80, s28, s16, $0xb8;
	[tilespmem:$0x1E000] =	vst v63  }
0x86: {  	v0 =	vld [tilespmem:s26+$0x28C0];
	_ =	sdelay $0x4  }
0x87: {  	[tilespmem:$0x4F00] =	vst v0  }
0x88: {  	v0 =	vld [tilespmem:s26+$0x28D0];
	_ =	sdelay $0x4  }
0x89: {  	[tilespmem:$0x4F10] =	vst v0  }
0x8a: {  	v0 =	vld [tilespmem:s26+$0x28E0];
	_ =	sdelay $0x4  }
0x8b: {  	[tilespmem:$0x4F20] =	vst v0  }
0x8c: {  	v0 =	vld [tilespmem:s26+$0x28F0];
	_ =	sdelay $0x4  }
0x8d: {  	[tilespmem:$0x4F30] =	vst v0  }
0x8e: {  	v0 =	vld [tilespmem:s26+$0x2900];
	_ =	sdelay $0x3  }
.Ltmp0:
0x8f: {  	(pc) =	sbr.rel @p0 .LBB2_2-.Ltmp0, $4  }
0x90: {  	[tilespmem:$0x4F40] =	vst v0  }
0x91: {  	_ =	swait.ge [sflag:s15], $0x2800  }
0x92: {  	[sflag:s15] =	ssyncset.done $0x0  }
0x93: {  	[sflag:s15] =	ssyncadd.s32 $0xFFFFD800  }
0x94: {  	[spmem:s2] =	stream.indirect.scatter.add.f32 [tilespmem:s18], [sflag:$0x4], $0x80, s22, s16, $0xb8;
	[tilespmem:$0x1E000] =	vst v63  }
0x95: {  	_ =	swait.ge [sflag:s14], $0x2800  }
0x96: {  	[sflag:s14] =	ssyncset.done $0x0  }
0x97: {  	[sflag:s14] =	ssyncadd.s32 $0xFFFFD800  }
0x98: {  	[spmem:s2] =	stream.indirect.scatter.add.f32 [tilespmem:s17], [sflag:$0x3], $0x80, s19, s16, $0xb8;
	[tilespmem:$0x1E000] =	vst v63  }
0x99: {  	_ =	swait.ge [sflag:s20], $0x2800  }
0x9a: {  	[sflag:s20] =	ssyncset.done $0x0  }
0x9b: {  	[sflag:s20] =	ssyncadd.s32 $0xFFFFD800  }
0x9c: {  	_ =	swait.ge [sflag:s23], $0x2800  }
0x9d: {  	s24 =	sadd.s32 $0x1, s24;
	[sflag:s23] =	ssyncset.done $0x0  }
0x9e: {  	p0 =	sne.s32 s24, s10;
	[sflag:s23] =	ssyncadd.s32 $0xFFFFD800  }
.Ltmp1:
0x9f: {  	[bflag:$0x0] =	sbarrier.arrive $0xFFFF;
	(pc) =	sbr.rel @p0 .LBB2_1-.Ltmp1, $4  }
0xa0: {  	[hbm:s9], [sflag:s8] =	dma.local [spmem:s12], $0x2800  }
0xa1: {  	_ =	swait.ge [sflag:s13], $0x2800  }
0xa2: {  	[sflag:s13] =	ssyncset.done $0x0  }
0xa3: {  	[sflag:s13] =	ssyncadd.s32 $0xFFFFD800  }
0xa4: {  	_ =	sfence.sel $0x180000  }
0xa5: {  	[bflag:$0x0] =	sbarrier.arrive $0xFFFF  }
0xa6: {  	p0 =	sne.s32 s0, $0x0;
	_ =	strace $0x9000004A  }
0xa7: {  	s0 =	sadd.s32 @!p0 $0x100000, s1;
	[bflag:$0x2] =	sbarrier.arrive $0xFFFF  }
0xa8: {  	[sflag:s0] =	ssyncadd.tile.s32 @!p0 $0x1;
	_ =	shalt  }
.Lfunc_end2:
_tile_overlayer_lowered:
.L_overlay_start_2:
0xa9: {  	(tag) =	ssettag $0x2  }
0xaa: {  	s0 =	rddreg [dreg:$0x0];
	s2 =	stileid.u32  }
0xab: {  	s1 =	rddreg [dreg:$0x1];
	p0 =	sne.s32 s2, $0x0  }
0xac: {  	s3 =	rddreg [dreg:$0x2];
	[bflag:$0x3] =	sbarrier.arrive $0xFFFF;
	s2 =	simm.s32 @!p0 $0x1C05  }
0xad: {  	[timem:s3], [sflag:s2] =	dma.local @!p0 [hbm:s0], s1  }
0xae: {  	s0 =	simm.s32 @!p0 $0x5  }
0xaf: {  	_ =	swait.ge @!p0 [sflag:s0], s1  }
0xb0: {  	s1 =	ssub.s32 @!p0 $0x0, s1;
	[sflag:s0] =	ssyncset.done @!p0 $0x0  }
0xb1: {  	[sflag:s0] =	ssyncadd.s32 @!p0 s1  }
0xb2: {  	[bflag:$0x3] =	sbarrier.arrive $0xFFFF  }
0xb3: {  	_ =	shalt  }

// kernel: kernel.14.cloned.1.call-start
scs
__scs_entry_jumppad:
0x0: {  	(pc) =	sbr.rel $0x88, $3  }
0x1: {  	(tag) =	ssettag $0x0;
	lr =	simm.s32 $0x1  }
0x2: {  	[smem:$0x3F9B] =	sst lr;
	_ =	strace $0xD0000000  }
0x3: {  	_ = 	snop  }
0x4: {  	_ = 	snop  }
0x5: {  	_ = 	snop  }
0x6: {  	_ = 	snop  }
0x7: {  	_ = 	snop  }
__scs_overlays_trampoline_lowered:
0x8: {  	[smem:$0x3FAA] =	sst s0  }
0x9: {  	[smem:$0x3FAB] =	sst s1  }
0xa: {  	[smem:$0x3FAC] =	sst s2  }
0xb: {  	[smem:$0x3FAD] =	sst s3  }
0xc: {  	[smem:$0x3FAE] =	sst s4  }
0xd: {  	[smem:$0x3FAF] =	sst s5  }
0xe: {  	[smem:$0x3FB0] =	sst s6  }
0xf: {  	[smem:$0x3FB1] =	sst s7  }
0x10: {  	[smem:$0x3FB2] =	sst s8  }
0x11: {  	[smem:$0x3FB3] =	sst s9;
	s0 =	simm.s32 @!p0 $0x0  }
0x12: {  	s1 =	sld [smem:$0x3F99];
	s0 =	simm.s32 @p0 $0x1  }
0x13: {  	[smem:$0x3FB4] =	sst s0;
	s0 =	simm.s32 @!p1 $0x0  }
0x14: {  	s2 =	sld [smem:$0x3F98];
	s0 =	simm.s32 @p1 $0x1  }
0x15: {  	[smem:$0x3FB5] =	sst s0;
	s0 =	simm.s32 @!p2 $0x0  }
0x16: {  	s3 =	sld [smem:$0x3FDB];
	s0 =	simm.s32 @p2 $0x1  }
0x17: {  	s4 =	simm.s32 $0x1BF5;
	[smem:$0x3FB7] =	sst s0  }
0x18: {  	s0 =	sld [smem:$0x3F9A];
	_ =	swait.ge [sflag:s4], $0x0  }
0x19: {  	s7 =	sld [smem:$0x3F9B]  }
0x1a: {  	s8 =	sadd.s32 $0xFFFFE003, lr  }
0x1b: {  	s9 =	sadd.s32 $0xFFFFFEF7, lr;
	s5 =	simm.s32 $0xFFFFFFFF;
	p2 =	slt.u32 s8, $0xFFFFF086  }
0x1c: {  	p1 =	slt.u32 s9, $0xF7A;
	s5 =	simm.s32 @!p2 $0x0  }
0x1d: {  	s5 =	simm.s32 @p1 $0x1;
	p0 =	seq.s32 s7, s2  }
0x1e: {  	s7 =	smul.u32 @!p0 $0xF7A, s2;
	p2 =	seq.s32 @!p0 s5, $0x0  }
0x1f: {  	s9 =	smul.u32 $0xF7A, s1;
	s8 =	simm.s32 @!p0 $0x1BF5;
	p2 =	por !p2, p0  }
0x20: {  	[sflag:s8] =	ssyncset.s32 @!p0 $0xFFFFF086;
	s6 =	sadd.s32 @!p0 s3, s7;
	s7 =	simm.s32 @!p0 $0x108  }
0x21: {  	s3 =	sadd.s32 s3, s9;
	s6 =	sadd.s32 @!p0 $0x88, s6;
	s7 =	simm.s32 @p2 $0x1082  }
0x22: {  	[simem:s7], [sflag:s8] =	dma.local @!p0 [hbm:s6], $0xF7A  }
0x23: {  	s9 =	sor.u32 $0xD0000000, s2;
	s6 =	simm.s32 $0x108;
	_ =	swait.ge @!p0 [sflag:s8], $0x0  }
0x24: {  	s3 =	sadd.s32 $0x88, s3;
	s6 =	simm.s32 @!p1 $0x1082;
	[sflag:s4] =	ssyncset.s32 $0xFFFFF086  }
0x25: {  	[simem:s6], [sflag:s4] =	dma.local [hbm:s3], $0xF7A  }
0x26: {  	[smem:$0x3F9B] =	sst s1;
	(tag) =	ssettag s2;
	_ =	strace s9  }
0x27: {  	s1 =	sld [smem:$0x3FAB]  }
0x28: {  	s2 =	sld [smem:$0x3FAC]  }
0x29: {  	s4 =	sld [smem:$0x3FAE]  }
0x2a: {  	p0 =	seq.s32 s5, $0x0;
	s5 =	sld [smem:$0x3FAF]  }
0x2b: {  	s6 =	sld [smem:$0x3FB0]  }
0x2c: {  	s7 =	sld [smem:$0x3FB1]  }
0x2d: {  	s3 =	simm.s32 $0x108;
	s8 =	sld [smem:$0x3FB2]  }
0x2e: {  	s3 =	simm.s32 @!p0 $0x1082;
	s9 =	sld [smem:$0x3FB3]  }
0x2f: {  	lr =	sadd.s32 s0, s3;
	s0 =	sld [smem:$0x3FAA]  }
0x30: {  	s3 =	sld [smem:$0x3FAD]  }
0x31: {  	[smem:$0x3FB6] =	sst s10  }
0x32: {  	s10 =	sld [smem:$0x3FB4];
	_ =	sdelay $0x3  }
0x33: {  	p0 =	seq.s32 s10, $0x1;
	s10 =	sld [smem:$0x3FB6];
	_ =	sdelay $0x3  }
0x34: {  	[smem:$0x3FB6] =	sst s10  }
0x35: {  	s10 =	sld [smem:$0x3FB5];
	_ =	sdelay $0x3  }
0x36: {  	p1 =	seq.s32 s10, $0x1;
	s10 =	sld [smem:$0x3FB6];
	_ =	sdelay $0x3  }
0x37: {  	[smem:$0x3FB6] =	sst s10  }
0x38: {  	s10 =	sld [smem:$0x3FB7]  }
0x39: {  	_ = 	snop;
	(pc) =	sbr.ind lr, $3  }
0x3a: {  	_ = 	snop  }
0x3b: {  	_ = 	snop  }
0x3c: {  	p2 =	seq.s32 s10, $0x1;
	s10 =	sld [smem:$0x3FB6]  }
0x3d: {  	_ =	shalt  }
0x3e: {  	_ =	shalt  }
0x3f: {  	_ =	shalt  }
0x40: {  	_ =	shalt  }
0x41: {  	_ =	shalt  }
0x42: {  	_ =	shalt  }
0x43: {  	_ =	shalt  }
0x44: {  	_ =	shalt  }
0x45: {  	_ =	shalt  }
0x46: {  	_ =	shalt  }
0x47: {  	_ =	shalt  }
0x48: {  	_ =	shalt  }
0x49: {  	_ =	shalt  }
0x4a: {  	_ =	shalt  }
0x4b: {  	_ =	shalt  }
0x4c: {  	_ =	shalt  }
0x4d: {  	_ =	shalt  }
0x4e: {  	_ =	shalt  }
0x4f: {  	_ =	shalt  }
0x50: {  	_ =	shalt  }
0x51: {  	_ =	shalt  }
0x52: {  	_ =	shalt  }
0x53: {  	_ =	shalt  }
0x54: {  	_ =	shalt  }
0x55: {  	_ =	shalt  }
0x56: {  	_ =	shalt  }
0x57: {  	_ =	shalt  }
0x58: {  	_ =	shalt  }
0x59: {  	_ =	shalt  }
0x5a: {  	_ =	shalt  }
0x5b: {  	_ =	shalt  }
0x5c: {  	_ =	shalt  }
0x5d: {  	_ =	shalt  }
0x5e: {  	_ =	shalt  }
0x5f: {  	_ =	shalt  }
0x60: {  	_ =	shalt  }
0x61: {  	_ =	shalt  }
0x62: {  	_ =	shalt  }
0x63: {  	_ =	shalt  }
0x64: {  	_ =	shalt  }
0x65: {  	_ =	shalt  }
0x66: {  	_ =	shalt  }
0x67: {  	_ =	shalt  }
0x68: {  	_ =	shalt  }
0x69: {  	_ =	shalt  }
0x6a: {  	_ =	shalt  }
0x6b: {  	_ =	shalt  }
0x6c: {  	_ =	shalt  }
0x6d: {  	_ =	shalt  }
0x6e: {  	_ =	shalt  }
0x6f: {  	_ =	shalt  }
0x70: {  	_ =	shalt  }
0x71: {  	_ =	shalt  }
0x72: {  	_ =	shalt  }
0x73: {  	_ =	shalt  }
0x74: {  	_ =	shalt  }
0x75: {  	_ =	shalt  }
0x76: {  	_ =	shalt  }
0x77: {  	_ =	shalt  }
0x78: {  	_ =	shalt  }
0x79: {  	_ =	shalt  }
0x7a: {  	_ =	shalt  }
0x7b: {  	_ =	shalt  }
0x7c: {  	_ =	shalt  }
0x7d: {  	_ =	shalt  }
0x7e: {  	_ =	shalt  }
0x7f: {  	_ =	shalt  }
0x80: {  	_ =	shalt  }
0x81: {  	_ =	shalt  }
0x82: {  	_ =	shalt  }
0x83: {  	_ =	shalt  }
0x84: {  	_ =	shalt  }
0x85: {  	_ =	shalt  }
0x86: {  	_ =	shalt  }
0x87: {  	_ =	shalt  }
.Lfunc_end0:
.L_simem_size_0:
called_computation.2_lowered:
.L_overlay_start_0:
0x88: {  	s2 =	sld [smem:$0x3FD9]  }
0x89: {  	s3 =	sld [smem:$0x3FFE];
	_ =	sdelay $0x1  }
0x8a: {  	s1 =	srdreg.scid  }
0x8b: {  	s0 =	sand.u32 $0x1, s1  }
0x8c: {  	s17 =	sshll.u32 s0, $0xA;
	s2 =	sadd.s32 s3, s2  }
0x8d: {  	s2 =	sadd.s32 s2, s17  }
0x8e: {  	[smem:$0x3FC2] =	sst s2  }
0x8f: {  	_ = 	snop  }
0x90: {  	s2 =	sld [smem:$0x3FD0];
	(tm) =	ssettm $0x1  }
0x91: {  	s18 =	sld [smem:$0x3FFB];
	_ =	sdelay $0x3  }
0x92: {  	_ =	strace s18  }
0x93: {  	s3 =	sld [smem:$0x3FFC];
	_ =	sdelay $0x3  }
0x94: {  	_ =	strace s3  }
0x95: {  	s3 =	sld [smem:$0x3FFD];
	_ =	sdelay $0x3  }
0x96: {  	_ =	strace s3  }
0x97: {  	_ =	strace $0x8FFFFFFF  }
0x98: {  	s19 =	sld [smem:$0x3FDB];
	_ =	sdelay $0x1  }
0x99: {  	s4 =	simm.s32 $_scs_section_size  }
0x9a: {  	s5 =	simm.s32 $_size__tile_overlayer_lowered;
	s6 =	simm.s32 $_tile_overlayer_lowered  }
0x9b: {  	s22 =	simm.s32 $0x1BFF;
	s21 =	sshll.u32 s6, $0x1;
	s3 =	sadd.s32 s4, s19  }
0x9c: {  	s7 =	simm.s32 $0x0;
	s20 =	sshll.u32 s5, $0x1;
	s5 =	sadd.s32 s21, s3  }
0x9d: {  	[timem:s7], [sflag:s22] =	dma.local [hbm:s5], s20  }
0x9e: {  	_ =	swait.ge [sflag:s22], s20  }
0x9f: {  	s4 =	ssub.s32 $0x0, s20;
	[sflag:s22] =	ssyncset.done $0x0  }
0xa0: {  	[sflag:s22] =	ssyncadd.s32 s4;
	_ =	sdelay $0x1  }
0xa1: {  	s23 =	simm.s32 $0x1B8B  }
0xa2: {  	_ =	swait.ge [sflag:s23], $0x1  }
0xa3: {  	[sflag:s23] =	ssyncset.done $0x0  }
0xa4: {  	s25 =	simm.s32 $0x1B8E;
	s24 =	sld [smem:$0x3FFE];
	[sflag:s23] =	ssyncadd.s32 $0xFFFFFFFF  }
0xa5: {  	s26 =	simm.s32 $execute0_lowered;
	[smem:$0x3FD2] =	sst s25  }
0xa6: {  	s5 =	sshll.u32 s26, $0x1;
	_ =	strace $0x8000004C;
	[dreg:$0x1] =	wrdreg $0xFFFFFFFF  }
0xa7: {  	s28 =	simm.s32 $_size_execute0_lowered;
	s3 =	sadd.s32 s3, s5;
	[dreg:$0x0] =	wrdreg $0x0  }
0xa8: {  	s5 =	sshll.u32 s28, $0x1;
	[dreg:$0x2] =	wrdreg s3  }
0xa9: {  	[dreg:$0x3] =	wrdreg s5  }
0xaa: {  	[dreg:$0x4] =	wrdreg $0xC0  }
0xab: {  	_ =	task [dreg:s7], $0x5FFFF  }
0xac: {  	[dreg:$0x1] =	wrdreg $0xFFFFFFFF  }
0xad: {  	[dreg:$0x0] =	wrdreg $0x60  }
0xae: {  	[dreg:$0x2] =	wrdreg s24  }
0xaf: {  	[dreg:$0x3] =	wrdreg s2  }
0xb0: {  	[dreg:$0x4] =	wrdreg $0x121100  }
0xb1: {  	[dreg:$0x5] =	wrdreg $0x9  }
0xb2: {  	_ =	task.clear_ibuf [dreg:s7], $0x6FFFF;
	_ =	strace $0x9000004C  }
0xb3: {  	s29 =	simm.s32 $0x9;
	_ =	strace $0x8000004E  }
0xb4: {  	_ =	swait.ge [sflag:s29], $0x1  }
0xb5: {  	[sflag:s29] =	ssyncadd.s32 $0xFFFFFFFF  }
0xb6: {  	_ =	strace $0x9000004E  }
0xb7: {  	_ =	sfence  }
0xb8: {  	s30 =	sld [smem:$0x0];
	_ =	sdelay $0x2  }
0xb9: {  	s31 =	sshll.u32 s1, $0xD;
	s1 =	sshrl.u32 s1, $0x2  }
0xba: {  	s3 =	sand.u32 $0x4000, s31;
	s1 =	sadd.s32 s1, s30  }
0xbb: {  	s0 =	sor.u32 s3, s0;
	s1 =	sshll.u32 s1, $0x11  }
0xbc: {  	s0 =	sor.u32 s1, s0  }
0xbd: {  	s0 =	sadd.s32 $0x8F2B, s0  }
0xbe: {  	[sflag:s0] =	ssyncadd.remote.s32 $0x1  }
0xbf: {  	_ =	sfence.sel $0xFFFF  }
0xc0: {  	[dreg:$0x0] =	wrdreg $0xFFFFFFFF;
	(pc) =	sbr.abs _section_cstart, $3  }
0xc1: {  	[dreg:$0x1] =	wrdreg $0xFFFFFFFF  }
0xc2: {  	_ =	task.clear_ibuf [dreg:s7], $0x2FFFF;
	_ =	strace $0x9FFFFFFF  }
0xc3: {  	(tm) =	ssettm $0x7FFFFFFF  }
tec
execute0_lowered:
.L_overlay_start_1:
0x0: {  	(tag) =	ssettag $0x1  }
0x1: {  	s0 =	rddreg [dreg:$0x0]  }
0x2: {  	s2 =	rddreg [dreg:$0x1];
	s1 =	srdreg.scid  }
0x3: {  	s11 =	stileid.u32;
	s3 =	rddreg [dreg:$0x2]  }
0x4: {  	s4 =	simm.s32 $0x0;
	s13 =	simm.s32 $0x7;
	s14 =	simm.s32 $0x1  }
0x5: {  	s15 =	simm.s32 $0x2;
	s16 =	simm.s32 $0x7D0;
	s17 =	simm.s32 $0x6590  }
0x6: {  	s18 =	simm.s32 $0xA410;
	s19 =	simm.s32 $0xFA0;
	s20 =	simm.s32 $0xE290  }
0x7: {  	s21 =	simm.s32 $0x4E20;
	s28 =	simm.s32 $0x3;
	s29 =	simm.s32 $0x5DC0  }
0x8: {  	s30 =	simm.s32 $0x6;
	s31 =	simm.s32 $0x0;
	s1 =	sand.u32 $0x1, s1  }
0x9: {  	s5 =	sshll.u32 s11, $0x1;
	[smem:$0x7FF] =	sst s4;
	s7 =	smul.u32 $0x280, s11  }
0xa: {  	s9 =	smul.u32 $0x5000, s11;
	s25 =	sshll.u32 s11, $0x6;
	s11 =	simm.s32 $0x2710  }
0xb: {  	s5 =	sor.u32 s1, s5;
	s22 =	ssub.s32 $0x2, s1;
	s1 =	smul.u32 $0x2800, s1  }
0xc: {  	_ =	strace $0x8000004D;
	s6 =	smul.u32 $0x4E2, s5;
	s23 =	sshrl.u32 s22, $0x1  }
0xd: {  	s5 =	sadd.s32 $0x15800, s0;
	s24 =	sshrl.u32 s9, $0x2;
	s10 =	ssub.s32 s22, s23  }
0xe: {  	s26 =	sadd.s32 s24, s3;
	s22 =	simm.s32 $0x4;
	s23 =	simm.s32 $0x1770  }
0xf: {  	s24 =	simm.s32 $0x55F0;
	s8 =	sadd.s32 s6, s0;
	s0 =	sadd.s32 s7, s0  }
0x10: {  	s10 =	smax.u32 s10, $0x1;
	s12 =	sshrl.u32 s26, $0x3;
	s26 =	simm.s32 $0x1F40  }
0x11: {  	s6 =	sadd.s32 $0x1C00, s8;
	s7 =	sadd.s32 $0xBA00, s8;
	s0 =	sadd.s32 s1, s0  }
0x12: {  	s8 =	sor.u32 $0x1C07, s25;
	s25 =	simm.s32 $0x5;
	s9 =	sadd.s32 $0x18000, s0  }
.LBB2_1:
0x13: {  	[tilespmem:s4], [sflag:$0x1] =	stream.linear.gather [hbm4b:s6+s4], $0x2710, $0x38;
	[tilespmem:$0x13510] =	vst v63  }
0x14: {  	_ = 	snop  }
0x15: {  	[tilespmem:s11], [sflag:$0x2] =	stream.linear.gather [hbm4b:s7+s4], $0x2710, $0x38;
	[tilespmem:$0x13510] =	vst v63  }
0x16: {  	[spmem:s12], [sflag:s8] =	dma.local [hbm:s2], $0x280  }
0x17: {  	_ =	swait.ge [sflag:s13], $0x280  }
0x18: {  	[sflag:s13] =	ssyncset.done $0x0  }
0x19: {  	[sflag:s13] =	ssyncadd.s32 $0xFFFFFD80  }
0x1a: {  	_ =	swait.ge [sflag:s14], $0x2710  }
0x1b: {  	[sflag:s14] =	ssyncset.done $0x0  }
0x1c: {  	[sflag:s14] =	ssyncadd.s32 $0xFFFFD8F0  }
0x1d: {  	_ =	swait.ge [sflag:s15], $0x2710  }
0x1e: {  	[sflag:s15] =	ssyncset.done $0x0  }
0x1f: {  	[sflag:s15] =	ssyncadd.s32 $0xFFFFD8F0  }
0x20: {  	s1 =	simm.s32 $0x0;
	[bflag:$0x0] =	sbarrier.arrive $0xFFFF  }
0x21: {  	[tilespmem:s17], [sflag:$0x1] =	stream.indirect.gather [hbm4b:s5+s16], $0x8, s4, s16, $0xb8;
	[tilespmem:$0x13510] =	vst v63  }
0x22: {  	s0 =	simm.s32 $0x40;
	v0 =	vld [tilespmem:s1+$0x2710]  }
.LBB2_2:
0x23: {  	p0 =	sne.s32 s0, $0x1F00  }
.Ltmp0:
0x24: {  	_ = 	snop;
	(pc) =	sbr.rel @p0 .LBB2_2-.Ltmp0, $3  }
0x25: {  	_ =	sdelay $0x1  }
0x26: {  	[tilespmem:s1+$0x4E20] =	vst v0;
	s1 =	sshra.s32 s0, $0x2;
	s0 =	sadd.s32 $0x40, s0  }
0x27: {  	v0 =	vld [tilespmem:s1+$0x2710]  }
0x28: {  	_ =	sdelay $0x3  }
0x29: {  	[tilespmem:s1+$0x4E20] =	vst v0;
	s1 =	simm.s32 $0x0  }
0x2a: {  	[tilespmem:s18], [sflag:$0x2] =	stream.indirect.gather [hbm4b:s5+s16], $0x8, s16, s16, $0xb8;
	[tilespmem:$0x13510] =	vst v63  }
0x2b: {  	s0 =	simm.s32 $0x40;
	v0 =	vld [tilespmem:s1+$0x2EE0]  }
.LBB2_4:
0x2c: {  	p0 =	sne.s32 s0, $0x1F00  }
.Ltmp1:
0x2d: {  	_ = 	snop;
	(pc) =	sbr.rel @p0 .LBB2_4-.Ltmp1, $3  }
0x2e: {  	_ =	sdelay $0x1  }
0x2f: {  	[tilespmem:s1+$0x55F0] =	vst v0;
	s1 =	sshra.s32 s0, $0x2;
	s0 =	sadd.s32 $0x40, s0  }
0x30: {  	v0 =	vld [tilespmem:s1+$0x2EE0]  }
0x31: {  	_ =	sdelay $0x3  }
0x32: {  	[tilespmem:s1+$0x55F0] =	vst v0;
	s1 =	simm.s32 $0x0  }
0x33: {  	[tilespmem:s20], [sflag:$0x3] =	stream.indirect.gather [hbm4b:s5+s16], $0x8, s19, s16, $0xb8;
	[tilespmem:$0x13510] =	vst v63  }
0x34: {  	s0 =	simm.s32 $0x40;
	v0 =	vld [tilespmem:s1+$0x36B0]  }
.LBB2_6:
0x35: {  	p0 =	sne.s32 s0, $0x1F00  }
.Ltmp2:
0x36: {  	_ = 	snop;
	(pc) =	sbr.rel @p0 .LBB2_6-.Ltmp2, $3  }
0x37: {  	_ =	sdelay $0x1  }
0x38: {  	[tilespmem:s1+$0x5DC0] =	vst v0;
	s1 =	sshra.s32 s0, $0x2;
	s0 =	sadd.s32 $0x40, s0  }
0x39: {  	v0 =	vld [tilespmem:s1+$0x36B0]  }
0x3a: {  	_ =	sdelay $0x3  }
0x3b: {  	[tilespmem:s1+$0x5DC0] =	vst v0  }
0x3c: {  	_ =	swait.ge [sflag:s14], $0x3E80  }
0x3d: {  	[sflag:s14] =	ssyncset.done $0x0  }
0x3e: {  	[sflag:s14] =	ssyncadd.s32 $0xFFFFC180  }
0x3f: {  	[spmem:s3] =	stream.indirect.scatter.add.f32 [tilespmem:s17], [sflag:$0x4], $0x8, s21, s16, $0xb8;
	[tilespmem:$0x13510] =	vst v63  }
0x40: {  	_ =	swait.ge [sflag:s22], $0x3E80  }
0x41: {  	[sflag:s22] =	ssyncset.done $0x0  }
0x42: {  	s1 =	simm.s32 $0x0;
	[sflag:s22] =	ssyncadd.s32 $0xFFFFC180  }
0x43: {  	[tilespmem:s17], [sflag:$0x1] =	stream.indirect.gather [hbm4b:s5+s16], $0x8, s23, s16, $0xb8;
	[tilespmem:$0x13510] =	vst v63  }
0x44: {  	s0 =	simm.s32 $0x40;
	v0 =	vld [tilespmem:s1+$0x3E80]  }
.LBB2_8:
0x45: {  	p0 =	sne.s32 s0, $0x1F00  }
.Ltmp3:
0x46: {  	_ = 	snop;
	(pc) =	sbr.rel @p0 .LBB2_8-.Ltmp3, $3  }
0x47: {  	_ =	sdelay $0x1  }
0x48: {  	[tilespmem:s1+$0x4E20] =	vst v0;
	s1 =	sshra.s32 s0, $0x2;
	s0 =	sadd.s32 $0x40, s0  }
0x49: {  	v0 =	vld [tilespmem:s1+$0x3E80]  }
0x4a: {  	_ =	sdelay $0x3  }
0x4b: {  	[tilespmem:s1+$0x4E20] =	vst v0  }
0x4c: {  	_ =	swait.ge [sflag:s15], $0x3E80  }
0x4d: {  	[sflag:s15] =	ssyncset.done $0x0  }
0x4e: {  	[sflag:s15] =	ssyncadd.s32 $0xFFFFC180  }
0x4f: {  	[spmem:s3] =	stream.indirect.scatter.add.f32 [tilespmem:s18], [sflag:$0x5], $0x8, s24, s16, $0xb8;
	[tilespmem:$0x13510] =	vst v63  }
0x50: {  	_ =	swait.ge [sflag:s25], $0x3E80  }
0x51: {  	[sflag:s25] =	ssyncset.done $0x0  }
0x52: {  	s1 =	simm.s32 $0x0;
	[sflag:s25] =	ssyncadd.s32 $0xFFFFC180  }
0x53: {  	[tilespmem:s18], [sflag:$0x2] =	stream.indirect.gather [hbm4b:s5+s16], $0x8, s26, s16, $0xb8;
	[tilespmem:$0x13510] =	vst v63  }
0x54: {  	s0 =	simm.s32 $0x40;
	v0 =	vld [tilespmem:s1+$0x4650]  }
.LBB2_10:
0x55: {  	p0 =	sne.s32 s0, $0x1F00  }
.Ltmp4:
0x56: {  	_ = 	snop;
	(pc) =	sbr.rel @p0 .LBB2_10-.Ltmp4, $3  }
0x57: {  	_ =	sdelay $0x1  }
0x58: {  	[tilespmem:s1+$0x55F0] =	vst v0;
	s1 =	sshra.s32 s0, $0x2;
	s0 =	sadd.s32 $0x40, s0  }
0x59: {  	v0 =	vld [tilespmem:s1+$0x4650]  }
0x5a: {  	_ =	sdelay $0x3  }
0x5b: {  	[tilespmem:s1+$0x55F0] =	vst v0  }
0x5c: {  	_ =	swait.ge [sflag:s28], $0x3E80  }
0x5d: {  	[sflag:s28] =	ssyncset.done $0x0  }
0x5e: {  	[sflag:s28] =	ssyncadd.s32 $0xFFFFC180  }
0x5f: {  	[spmem:s3] =	stream.indirect.scatter.add.f32 [tilespmem:s20], [sflag:$0x6], $0x8, s29, s16, $0xb8;
	[tilespmem:$0x13510] =	vst v63  }
0x60: {  	_ =	swait.ge [sflag:s14], $0x3E80  }
0x61: {  	[sflag:s14] =	ssyncset.done $0x0  }
0x62: {  	[sflag:s14] =	ssyncadd.s32 $0xFFFFC180  }
0x63: {  	[spmem:s3] =	stream.indirect.scatter.add.f32 [tilespmem:s17], [sflag:$0x4], $0x8, s21, s16, $0xb8;
	[tilespmem:$0x13510] =	vst v63  }
0x64: {  	_ =	swait.ge [sflag:s15], $0x3E80  }
0x65: {  	[sflag:s15] =	ssyncset.done $0x0  }
0x66: {  	[sflag:s15] =	ssyncadd.s32 $0xFFFFC180  }
0x67: {  	[spmem:s3] =	stream.indirect.scatter.add.f32 [tilespmem:s18], [sflag:$0x5], $0x8, s24, s16, $0xb8;
	[tilespmem:$0x13510] =	vst v63  }
0x68: {  	_ =	swait.ge [sflag:s22], $0x3E80  }
0x69: {  	[sflag:s22] =	ssyncset.done $0x0  }
0x6a: {  	[sflag:s22] =	ssyncadd.s32 $0xFFFFC180  }
0x6b: {  	_ =	swait.ge [sflag:s25], $0x3E80  }
0x6c: {  	[sflag:s25] =	ssyncset.done $0x0  }
0x6d: {  	[sflag:s25] =	ssyncadd.s32 $0xFFFFC180  }
0x6e: {  	_ =	swait.ge [sflag:s30], $0x3E80  }
0x6f: {  	s31 =	sadd.s32 $0x1, s31;
	[sflag:s30] =	ssyncset.done $0x0  }
0x70: {  	p0 =	sne.s32 s31, s10;
	[sflag:s30] =	ssyncadd.s32 $0xFFFFC180  }
.Ltmp5:
0x71: {  	[bflag:$0x0] =	sbarrier.arrive $0xFFFF;
	(pc) =	sbr.rel @p0 .LBB2_1-.Ltmp5, $4  }
0x72: {  	[hbm:s9], [sflag:s8] =	dma.local [spmem:s12], $0x280  }
0x73: {  	_ =	swait.ge [sflag:s13], $0x280  }
0x74: {  	[sflag:s13] =	ssyncset.done $0x0  }
0x75: {  	[sflag:s13] =	ssyncadd.s32 $0xFFFFFD80  }
0x76: {  	_ =	sfence.sel $0x180000  }
0x77: {  	[bflag:$0x0] =	sbarrier.arrive $0xFFFF  }
0x78: {  	_ =	strace $0x9000004D  }
0x79: {  	s0 =	stileid.u32;
	[bflag:$0x2] =	sbarrier.arrive $0xFFFF  }
0x7a: {  	p0 =	sne.s32 s0, $0x0;
	s0 =	rddreg [dreg:$0x3]  }
0x7b: {  	s0 =	sadd.s32 @!p0 $0x100000, s0  }
0x7c: {  	[sflag:s0] =	ssyncadd.tile.s32 @!p0 $0x1;
	_ =	shalt  }
.Lfunc_end2:
_tile_overlayer_lowered:
.L_overlay_start_2:
0x7d: {  	(tag) =	ssettag $0x2  }
0x7e: {  	s0 =	rddreg [dreg:$0x0];
	s2 =	stileid.u32  }
0x7f: {  	s1 =	rddreg [dreg:$0x1];
	p0 =	sne.s32 s2, $0x0  }
0x80: {  	s3 =	rddreg [dreg:$0x2];
	[bflag:$0x3] =	sbarrier.arrive $0xFFFF;
	s2 =	simm.s32 @!p0 $0x1C07  }
0x81: {  	[timem:s3], [sflag:s2] =	dma.local @!p0 [hbm:s0], s1  }
0x82: {  	s0 =	simm.s32 @!p0 $0x7  }
0x83: {  	_ =	swait.ge @!p0 [sflag:s0], s1  }
0x84: {  	s1 =	ssub.s32 @!p0 $0x0, s1;
	[sflag:s0] =	ssyncset.done @!p0 $0x0  }
0x85: {  	[sflag:s0] =	ssyncadd.s32 @!p0 s1  }
0x86: {  	[bflag:$0x3] =	sbarrier.arrive $0xFFFF  }
0x87: {  	_ =	shalt  }

// kernel: kernel.8.cloned.1.call-start
scs
__scs_entry_jumppad:
0x0: {  	(pc) =	sbr.rel $0x88, $3  }
0x1: {  	(tag) =	ssettag $0x0;
	lr =	simm.s32 $0x1  }
0x2: {  	[smem:$0x3F9B] =	sst lr;
	_ =	strace $0xD0000000  }
0x3: {  	_ = 	snop  }
0x4: {  	_ = 	snop  }
0x5: {  	_ = 	snop  }
0x6: {  	_ = 	snop  }
0x7: {  	_ = 	snop  }
__scs_overlays_trampoline_lowered:
0x8: {  	[smem:$0x3FAA] =	sst s0  }
0x9: {  	[smem:$0x3FAB] =	sst s1  }
0xa: {  	[smem:$0x3FAC] =	sst s2  }
0xb: {  	[smem:$0x3FAD] =	sst s3  }
0xc: {  	[smem:$0x3FAE] =	sst s4  }
0xd: {  	[smem:$0x3FAF] =	sst s5  }
0xe: {  	[smem:$0x3FB0] =	sst s6  }
0xf: {  	[smem:$0x3FB1] =	sst s7  }
0x10: {  	[smem:$0x3FB2] =	sst s8  }
0x11: {  	[smem:$0x3FB3] =	sst s9;
	s0 =	simm.s32 @!p0 $0x0  }
0x12: {  	s1 =	sld [smem:$0x3F99];
	s0 =	simm.s32 @p0 $0x1  }
0x13: {  	[smem:$0x3FB4] =	sst s0;
	s0 =	simm.s32 @!p1 $0x0  }
0x14: {  	s2 =	sld [smem:$0x3F98];
	s0 =	simm.s32 @p1 $0x1  }
0x15: {  	[smem:$0x3FB5] =	sst s0;
	s0 =	simm.s32 @!p2 $0x0  }
0x16: {  	s3 =	sld [smem:$0x3FDB];
	s0 =	simm.s32 @p2 $0x1  }
0x17: {  	s4 =	simm.s32 $0x1BF5;
	[smem:$0x3FB7] =	sst s0  }
0x18: {  	s0 =	sld [smem:$0x3F9A];
	_ =	swait.ge [sflag:s4], $0x0  }
0x19: {  	s7 =	sld [smem:$0x3F9B]  }
0x1a: {  	s8 =	sadd.s32 $0xFFFFE003, lr  }
0x1b: {  	s9 =	sadd.s32 $0xFFFFFEF7, lr;
	s5 =	simm.s32 $0xFFFFFFFF;
	p2 =	slt.u32 s8, $0xFFFFF086  }
0x1c: {  	p1 =	slt.u32 s9, $0xF7A;
	s5 =	simm.s32 @!p2 $0x0  }
0x1d: {  	s5 =	simm.s32 @p1 $0x1;
	p0 =	seq.s32 s7, s2  }
0x1e: {  	s7 =	smul.u32 @!p0 $0xF7A, s2;
	p2 =	seq.s32 @!p0 s5, $0x0  }
0x1f: {  	s9 =	smul.u32 $0xF7A, s1;
	s8 =	simm.s32 @!p0 $0x1BF5;
	p2 =	por !p2, p0  }
0x20: {  	[sflag:s8] =	ssyncset.s32 @!p0 $0xFFFFF086;
	s6 =	sadd.s32 @!p0 s3, s7;
	s7 =	simm.s32 @!p0 $0x108  }
0x21: {  	s3 =	sadd.s32 s3, s9;
	s6 =	sadd.s32 @!p0 $0x88, s6;
	s7 =	simm.s32 @p2 $0x1082  }
0x22: {  	[simem:s7], [sflag:s8] =	dma.local @!p0 [hbm:s6], $0xF7A  }
0x23: {  	s9 =	sor.u32 $0xD0000000, s2;
	s6 =	simm.s32 $0x108;
	_ =	swait.ge @!p0 [sflag:s8], $0x0  }
0x24: {  	s3 =	sadd.s32 $0x88, s3;
	s6 =	simm.s32 @!p1 $0x1082;
	[sflag:s4] =	ssyncset.s32 $0xFFFFF086  }
0x25: {  	[simem:s6], [sflag:s4] =	dma.local [hbm:s3], $0xF7A  }
0x26: {  	[smem:$0x3F9B] =	sst s1;
	(tag) =	ssettag s2;
	_ =	strace s9  }
0x27: {  	s1 =	sld [smem:$0x3FAB]  }
0x28: {  	s2 =	sld [smem:$0x3FAC]  }
0x29: {  	s4 =	sld [smem:$0x3FAE]  }
0x2a: {  	p0 =	seq.s32 s5, $0x0;
	s5 =	sld [smem:$0x3FAF]  }
0x2b: {  	s6 =	sld [smem:$0x3FB0]  }
0x2c: {  	s7 =	sld [smem:$0x3FB1]  }
0x2d: {  	s3 =	simm.s32 $0x108;
	s8 =	sld [smem:$0x3FB2]  }
0x2e: {  	s3 =	simm.s32 @!p0 $0x1082;
	s9 =	sld [smem:$0x3FB3]  }
0x2f: {  	lr =	sadd.s32 s0, s3;
	s0 =	sld [smem:$0x3FAA]  }
0x30: {  	s3 =	sld [smem:$0x3FAD]  }
0x31: {  	[smem:$0x3FB6] =	sst s10  }
0x32: {  	s10 =	sld [smem:$0x3FB4];
	_ =	sdelay $0x3  }
0x33: {  	p0 =	seq.s32 s10, $0x1;
	s10 =	sld [smem:$0x3FB6];
	_ =	sdelay $0x3  }
0x34: {  	[smem:$0x3FB6] =	sst s10  }
0x35: {  	s10 =	sld [smem:$0x3FB5];
	_ =	sdelay $0x3  }
0x36: {  	p1 =	seq.s32 s10, $0x1;
	s10 =	sld [smem:$0x3FB6];
	_ =	sdelay $0x3  }
0x37: {  	[smem:$0x3FB6] =	sst s10  }
0x38: {  	s10 =	sld [smem:$0x3FB7]  }
0x39: {  	_ = 	snop;
	(pc) =	sbr.ind lr, $3  }
0x3a: {  	_ = 	snop  }
0x3b: {  	_ = 	snop  }
0x3c: {  	p2 =	seq.s32 s10, $0x1;
	s10 =	sld [smem:$0x3FB6]  }
0x3d: {  	_ =	shalt  }
0x3e: {  	_ =	shalt  }
0x3f: {  	_ =	shalt  }
0x40: {  	_ =	shalt  }
0x41: {  	_ =	shalt  }
0x42: {  	_ =	shalt  }
0x43: {  	_ =	shalt  }
0x44: {  	_ =	shalt  }
0x45: {  	_ =	shalt  }
0x46: {  	_ =	shalt  }
0x47: {  	_ =	shalt  }
0x48: {  	_ =	shalt  }
0x49: {  	_ =	shalt  }
0x4a: {  	_ =	shalt  }
0x4b: {  	_ =	shalt  }
0x4c: {  	_ =	shalt  }
0x4d: {  	_ =	shalt  }
0x4e: {  	_ =	shalt  }
0x4f: {  	_ =	shalt  }
0x50: {  	_ =	shalt  }
0x51: {  	_ =	shalt  }
0x52: {  	_ =	shalt  }
0x53: {  	_ =	shalt  }
0x54: {  	_ =	shalt  }
0x55: {  	_ =	shalt  }
0x56: {  	_ =	shalt  }
0x57: {  	_ =	shalt  }
0x58: {  	_ =	shalt  }
0x59: {  	_ =	shalt  }
0x5a: {  	_ =	shalt  }
0x5b: {  	_ =	shalt  }
0x5c: {  	_ =	shalt  }
0x5d: {  	_ =	shalt  }
0x5e: {  	_ =	shalt  }
0x5f: {  	_ =	shalt  }
0x60: {  	_ =	shalt  }
0x61: {  	_ =	shalt  }
0x62: {  	_ =	shalt  }
0x63: {  	_ =	shalt  }
0x64: {  	_ =	shalt  }
0x65: {  	_ =	shalt  }
0x66: {  	_ =	shalt  }
0x67: {  	_ =	shalt  }
0x68: {  	_ =	shalt  }
0x69: {  	_ =	shalt  }
0x6a: {  	_ =	shalt  }
0x6b: {  	_ =	shalt  }
0x6c: {  	_ =	shalt  }
0x6d: {  	_ =	shalt  }
0x6e: {  	_ =	shalt  }
0x6f: {  	_ =	shalt  }
0x70: {  	_ =	shalt  }
0x71: {  	_ =	shalt  }
0x72: {  	_ =	shalt  }
0x73: {  	_ =	shalt  }
0x74: {  	_ =	shalt  }
0x75: {  	_ =	shalt  }
0x76: {  	_ =	shalt  }
0x77: {  	_ =	shalt  }
0x78: {  	_ =	shalt  }
0x79: {  	_ =	shalt  }
0x7a: {  	_ =	shalt  }
0x7b: {  	_ =	shalt  }
0x7c: {  	_ =	shalt  }
0x7d: {  	_ =	shalt  }
0x7e: {  	_ =	shalt  }
0x7f: {  	_ =	shalt  }
0x80: {  	_ =	shalt  }
0x81: {  	_ =	shalt  }
0x82: {  	_ =	shalt  }
0x83: {  	_ =	shalt  }
0x84: {  	_ =	shalt  }
0x85: {  	_ =	shalt  }
0x86: {  	_ =	shalt  }
0x87: {  	_ =	shalt  }
.Lfunc_end0:
.L_simem_size_0:
called_computation_lowered:
.L_overlay_start_0:
0x88: {  	s2 =	sld [smem:$0x3FD9]  }
0x89: {  	s3 =	sld [smem:$0x3FFE];
	_ =	sdelay $0x1  }
0x8a: {  	s1 =	srdreg.scid  }
0x8b: {  	s0 =	sand.u32 $0x1, s1  }
0x8c: {  	s16 =	sshll.u32 s0, $0xA;
	s2 =	sadd.s32 s3, s2  }
0x8d: {  	s2 =	sadd.s32 s2, s16  }
0x8e: {  	[smem:$0x3FC2] =	sst s2  }
0x8f: {  	_ = 	snop  }
0x90: {  	(tm) =	ssettm $0x1  }
0x91: {  	s17 =	sld [smem:$0x3FFB];
	_ =	sdelay $0x3  }
0x92: {  	_ =	strace s17  }
0x93: {  	s2 =	sld [smem:$0x3FFC];
	_ =	sdelay $0x3  }
0x94: {  	_ =	strace s2  }
0x95: {  	s2 =	sld [smem:$0x3FFD];
	_ =	sdelay $0x3  }
0x96: {  	_ =	strace s2  }
0x97: {  	_ =	strace $0x8FFFFFFF  }
0x98: {  	s18 =	sld [smem:$0x3FDB];
	_ =	sdelay $0x1  }
0x99: {  	s19 =	simm.s32 $_scs_section_size  }
0x9a: {  	s4 =	simm.s32 $_size__tile_overlayer_lowered;
	s5 =	simm.s32 $_tile_overlayer_lowered  }
0x9b: {  	s22 =	simm.s32 $0x1BFF;
	s21 =	sshll.u32 s5, $0x1;
	s2 =	sadd.s32 s19, s18  }
0x9c: {  	s6 =	simm.s32 $0x0;
	s20 =	sshll.u32 s4, $0x1;
	s4 =	sadd.s32 s21, s2  }
0x9d: {  	[timem:s6], [sflag:s22] =	dma.local [hbm:s4], s20  }
0x9e: {  	_ =	swait.ge [sflag:s22], s20  }
0x9f: {  	s3 =	ssub.s32 $0x0, s20;
	[sflag:s22] =	ssyncset.done $0x0  }
0xa0: {  	[sflag:s22] =	ssyncadd.s32 s3;
	_ =	sdelay $0x1  }
0xa1: {  	s23 =	simm.s32 $0x1B8B  }
0xa2: {  	_ =	swait.ge [sflag:s23], $0x1  }
0xa3: {  	[sflag:s23] =	ssyncset.done $0x0  }
0xa4: {  	s25 =	simm.s32 $0x1B8E;
	s24 =	sld [smem:$0x3FFE];
	[sflag:s23] =	ssyncadd.s32 $0xFFFFFFFF  }
0xa5: {  	s26 =	simm.s32 $execute0_lowered;
	[smem:$0x3FD2] =	sst s25  }
0xa6: {  	s4 =	sshll.u32 s26, $0x1;
	_ =	strace $0x80000046;
	[dreg:$0x1] =	wrdreg $0xFFFFFFFF  }
0xa7: {  	s28 =	simm.s32 $_size_execute0_lowered;
	s2 =	sadd.s32 s2, s4;
	[dreg:$0x0] =	wrdreg $0x0  }
0xa8: {  	s4 =	sshll.u32 s28, $0x1;
	[dreg:$0x2] =	wrdreg s2  }
0xa9: {  	[dreg:$0x3] =	wrdreg s4  }
0xaa: {  	[dreg:$0x4] =	wrdreg $0xC0  }
0xab: {  	_ =	task [dreg:s6], $0x5FFFF  }
0xac: {  	[dreg:$0x1] =	wrdreg $0xFFFFFFFF  }
0xad: {  	[dreg:$0x0] =	wrdreg $0x60  }
0xae: {  	[dreg:$0x2] =	wrdreg s24  }
0xaf: {  	[dreg:$0x3] =	wrdreg $0x9  }
0xb0: {  	_ =	task.clear_ibuf [dreg:s6], $0x4FFFF;
	_ =	strace $0x90000046  }
0xb1: {  	s29 =	simm.s32 $0x9;
	_ =	strace $0x80000048  }
0xb2: {  	_ =	swait.ge [sflag:s29], $0x1  }
0xb3: {  	[sflag:s29] =	ssyncadd.s32 $0xFFFFFFFF  }
0xb4: {  	_ =	strace $0x90000048  }
0xb5: {  	_ =	sfence  }
0xb6: {  	s30 =	sld [smem:$0x0];
	_ =	sdelay $0x2  }
0xb7: {  	s31 =	sshll.u32 s1, $0xD;
	s1 =	sshrl.u32 s1, $0x2  }
0xb8: {  	s3 =	sand.u32 $0x4000, s31;
	s1 =	sadd.s32 s1, s30  }
0xb9: {  	s0 =	sor.u32 s3, s0;
	s1 =	sshll.u32 s1, $0x11  }
0xba: {  	s0 =	sor.u32 s1, s0  }
0xbb: {  	s0 =	sadd.s32 $0x8F2B, s0  }
0xbc: {  	[sflag:s0] =	ssyncadd.remote.s32 $0x1  }
0xbd: {  	_ =	sfence.sel $0xFFFF  }
0xbe: {  	[dreg:$0x0] =	wrdreg $0xFFFFFFFF;
	(pc) =	sbr.abs _section_cstart, $3  }
0xbf: {  	[dreg:$0x1] =	wrdreg $0xFFFFFFFF  }
0xc0: {  	_ =	task.clear_ibuf [dreg:s6], $0x2FFFF;
	_ =	strace $0x9FFFFFFF  }
0xc1: {  	(tm) =	ssettm $0x7FFFFFFF  }
tec
execute0_lowered:
.L_overlay_start_1:
0x0: {  	(tag) =	ssettag $0x1  }
0x1: {  	s1 =	srdreg.scid;
	s0 =	stileid.u32  }
0x2: {  	s3 =	rddreg [dreg:$0x0];
	s8 =	simm.s32 $0x80;
	s9 =	simm.s32 $0x400  }
0x3: {  	s4 =	sand.u32 $0x1, s1;
	s2 =	sshll.u32 s0, $0x1;
	s1 =	rddreg [dreg:$0x1]  }
0x4: {  	s6 =	sshrl.u32 s0, $0x2;
	s5 =	sor.u32 s4, s2;
	s2 =	simm.s32 $0x0  }
0x5: {  	s6 =	smul.u32 $0x14000, s6;
	s4 =	ssub.s32 $0x2, s4;
	s7 =	sshll.u32 s5, $0x7  }
0x6: {  	[smem:$0x7FF] =	sst s2;
	s5 =	smul.u32 $0x4E2, s5;
	s7 =	sand.u32 $0x380, s7  }
0x7: {  	s31 =	sshrl.u32 s4, $0x1;
	_ =	strace $0x80000047;
	s6 =	sor.u32 s6, s7  }
0x8: {  	s5 =	sadd.s32 s5, s3;
	s7 =	ssub.s32 s4, s31;
	s6 =	sshrl.u32 s6, $0x3  }
0x9: {  	s6 =	sadd.s32 s6, s3;
	s3 =	sadd.s32 $0xBA00, s5;
	s5 =	smax.u32 s7, $0x1  }
0xa: {  	v0 =	vimm.f32 $0.0e+00;
	s7 =	simm.s32 $0x2780;
	s4 =	sadd.s32 $0x15800, s6;
	s6 =	simm.s32 $0x1  }
.LBB2_1:
0xb: {  	s10 =	simm.s32 $0x40;
	s11 =	simm.s32 $0x0  }
.LBB2_2:
0xc: {  	p0 =	sne.s32 s10, $0x9FC0;
	[tilespmem:s11+$0x2780] =	vst v0;
	s11 =	smov.u32 s10;
	s10 =	sadd.s32 $0x40, s10  }
.Ltmp0:
0xd: {  	(pc) =	sbr.rel @p0 .LBB2_2-.Ltmp0, $2  }
0xe: {  	_ =	sdelay $0x2  }
0xf: {  	s11 =	sshra.s32 s11, $0x2  }
0x10: {  	[tilespmem:s11+$0x2780] =	vst v0;
	s10 =	simm.s32 $0x0  }
0x11: {  	[tilespmem:s10], [sflag:$0x1] =	stream.linear.gather [hbm4b:s3+s10], $0x2710, $0x38;
	[tilespmem:$0x4F80] =	vst v63  }
0x12: {  	_ =	swait.ge [sflag:s6], $0x2710  }
0x13: {  	[sflag:s6] =	ssyncset.done $0x0  }
0x14: {  	s11 =	simm.s32 $0x0;
	s10 =	simm.s32 $0x40;
	[sflag:s6] =	ssyncadd.s32 $0xFFFFD8F0  }
.LBB2_4:
0x15: {  	p0 =	sne.s32 s10, $0x9C00;
	v1 =	vld [tilespmem:s11+$0x0];
	_ =	sdelay $0x4  }
0x16: {  	(xrf1) =	vunique.msk.u32 $0xffff, v1;
	_ =	sdelay $0xd  }
0x17: {  	_, v2, vm0 =	vpop (xrf1);
	_ =	sdelay $0x1  }
.Ltmp1:
0x18: {  	(pc) =	sbr.rel @p0 .LBB2_4-.Ltmp1, $3  }
0x19: {  	_ = 	snop  }
0x1a: {  	v2 =	vcvt.s32.f32 v2;
	_ =	sdelay $0x1  }
0x1b: {  	s11 =	sshra.s32 s10, $0x2;
	s10 =	sadd.s32 $0x40, s10;
	[tilespmem:v1+s7+$0x0] =	vst.idx.add.f32.msk vm0, v2  }
0x1c: {  	v1 =	vld [tilespmem:s11+$0x0];
	_ =	sdelay $0x4  }
0x1d: {  	(xrf1) =	vunique.msk.u32 $0xffff, v1;
	_ =	sdelay $0xd  }
0x1e: {  	_, v2, vm0 =	vpop (xrf1);
	_ =	sdelay $0x3  }
0x1f: {  	s2 =	sadd.s32 $0x1, s2;
	v2 =	vcvt.s32.f32 v2  }
0x20: {  	p0 =	sne.s32 s2, s5  }
.Ltmp2:
0x21: {  	[tilespmem:v1+s7+$0x0] =	vst.idx.add.f32.msk vm0, v2;
	(pc) =	sbr.rel @p0 .LBB2_1-.Ltmp2, $4  }
0x22: {  	[hbm4b:s4+s8] =	stream.strided.scatter [tilespmem:s7], [sflag:$0x1], $0x2800, s9, s8, $0x38;
	[tilespmem:$0x4F80] =	vst v63  }
0x23: {  	_ =	swait.ge [sflag:s6], $0x2800  }
0x24: {  	[sflag:s6] =	ssyncset.done $0x0  }
0x25: {  	[sflag:s6] =	ssyncadd.s32 $0xFFFFD800  }
0x26: {  	_ =	sfence.sel $0x180000  }
0x27: {  	[bflag:$0x0] =	sbarrier.arrive $0xFFFF  }
0x28: {  	p0 =	sne.s32 s0, $0x0;
	_ =	strace $0x90000047  }
0x29: {  	s0 =	sadd.s32 @!p0 $0x100000, s1;
	[bflag:$0x2] =	sbarrier.arrive $0xFFFF  }
0x2a: {  	[sflag:s0] =	ssyncadd.tile.s32 @!p0 $0x1;
	_ =	shalt  }
.Lfunc_end2:
_tile_overlayer_lowered:
.L_overlay_start_2:
0x2b: {  	(tag) =	ssettag $0x2  }
0x2c: {  	s0 =	rddreg [dreg:$0x0];
	s2 =	stileid.u32  }
0x2d: {  	s1 =	rddreg [dreg:$0x1];
	p0 =	sne.s32 s2, $0x0  }
0x2e: {  	s3 =	rddreg [dreg:$0x2];
	[bflag:$0x3] =	sbarrier.arrive $0xFFFF;
	s2 =	simm.s32 @!p0 $0x1C01  }
0x2f: {  	[timem:s3], [sflag:s2] =	dma.local @!p0 [hbm:s0], s1  }
0x30: {  	s0 =	simm.s32 @!p0 $0x1  }
0x31: {  	_ =	swait.ge @!p0 [sflag:s0], s1  }
0x32: {  	s1 =	ssub.s32 @!p0 $0x0, s1;
	[sflag:s0] =	ssyncset.done @!p0 $0x0  }
0x33: {  	[sflag:s0] =	ssyncadd.s32 @!p0 s1  }
0x34: {  	[bflag:$0x3] =	sbarrier.arrive $0xFFFF  }
0x35: {  	_ =	shalt  }

</sc_bundles>
